<compile_context>
chip_gen: v7x
topology: tpu7x:2x2x1
jax: 0.10.2.dev20260603
libtpu: 0.0.44.dev20260713+nightly
codegen_flags: <defaults>
</compile_context>

<pallas_src>
import functools

import jax
import jax.numpy as jnp
from jax import lax
from jax.experimental import pallas as pl
from jax.experimental.pallas import tpu as pltpu
from jax.experimental.pallas import tpu_sc as plsc

NC = 2
NS = 16
L = 16
CH = 128


def _ceil_to(x, m):
  return (x + m - 1) // m * m


def _make_seg_sum(N, D, E_pad, ch):
  NW = NC * NS
  N_ACC = _ceil_to(N + 1, NS * L)
  R = N_ACC // NS
  T = E_pad // (NW * ch)
  assert E_pad % (NW * ch) == 0

  mesh = plsc.VectorSubcoreMesh(
      core_axis_name="c", subcore_axis_name="s",
      num_cores=NC, num_subcores=NS)

  WB = min(ch, 128)
  assert R % WB == 0
  out_type = [jax.ShapeDtypeStruct((NC * N_ACC, D), jnp.float32)]
  scratch = [
      pltpu.VMEM((2, ch), jnp.int32),
      pltpu.VMEM((ch, D), jnp.float32),
      pltpu.VMEM_SHARED((N_ACC, D), jnp.float32),
      pltpu.SemaphoreType.DMA,
  ]

  def body(x_hbm, sd_hbm, psum, idx2, rows, acc, sem):
    c = lax.axis_index("c")
    s = lax.axis_index("s")
    wk = s * NC + c
    base = s * R
    obase = c * N_ACC + base
    zero = jnp.zeros((L,), jnp.float32)

    @pl.loop(0, WB)
    def _zfill(i):
      for j in range(D // L):
        rows[i, pl.ds(j * L, L)] = zero

    @pl.loop(0, R // WB)
    def _zero(k):
      pltpu.sync_copy(rows.at[pl.ds(0, WB)], acc.at[pl.ds(base + k * WB, WB)])

    plsc.subcore_barrier()

    @pl.loop(0, T)
    def _chunk(i):
      blk = i * NW + wk
      pltpu.sync_copy(sd_hbm.at[blk], idx2)
      pltpu.async_copy(x_hbm.at[idx2.at[0]], rows, sem).wait()
      pltpu.sync_copy(rows, acc.at[idx2.at[1]], add=True)

    plsc.subcore_barrier()

    @pl.loop(0, R // WB)
    def _wb(k):
      pltpu.sync_copy(acc.at[pl.ds(base + k * WB, WB)], rows.at[pl.ds(0, WB)])
      pltpu.sync_copy(rows.at[pl.ds(0, WB)], psum.at[pl.ds(obase + k * WB, WB)])

  return pl.kernel(body, out_type=out_type, mesh=mesh,
                   scratch_types=scratch), N_ACC


def _make_counts(N, E_pad, ch):
  NW = NC * NS
  N_ACC = _ceil_to(N + 1, NS * L)
  R = N_ACC // NS
  T = E_pad // (NW * ch)
  WB = min(ch, 128)
  assert E_pad % (NW * ch) == 0 and R % WB == 0

  mesh = plsc.VectorSubcoreMesh(
      core_axis_name="c", subcore_axis_name="s",
      num_cores=NC, num_subcores=NS)

  out_type = [jax.ShapeDtypeStruct((NC * N_ACC, L), jnp.float32)]
  scratch = [
      pltpu.VMEM((ch,), jnp.int32),
      pltpu.VMEM((ch, L), jnp.float32),
      pltpu.VMEM_SHARED((N_ACC, L), jnp.float32),
  ]

  def body(dst_hbm, pcnt, idx_d, buf, cacc):
    c = lax.axis_index("c")
    s = lax.axis_index("s")
    wk = s * NC + c
    base = s * R
    obase = c * N_ACC + base
    zero = jnp.zeros((L,), jnp.float32)
    one = jnp.ones((L,), jnp.float32)

    @pl.loop(0, ch)
    def _zfill(i):
      buf[i, pl.ds(0, L)] = zero

    @pl.loop(0, R // WB)
    def _zero(k):
      pltpu.sync_copy(buf.at[pl.ds(0, WB)], cacc.at[pl.ds(base + k * WB, WB)])

    @pl.loop(0, ch)
    def _ofill(i):
      buf[i, pl.ds(0, L)] = one

    plsc.subcore_barrier()

    @pl.loop(0, T)
    def _chunk(i):
      off = (i * NW + wk) * ch
      pltpu.sync_copy(dst_hbm.at[pl.ds(off, ch)], idx_d)
      pltpu.sync_copy(buf, cacc.at[idx_d], add=True)

    plsc.subcore_barrier()

    @pl.loop(0, R // WB)
    def _wb(k):
      pltpu.sync_copy(cacc.at[pl.ds(base + k * WB, WB)], buf.at[pl.ds(0, WB)])
      pltpu.sync_copy(buf.at[pl.ds(0, WB)], pcnt.at[pl.ds(obase + k * WB, WB)])

  return pl.kernel(body, out_type=out_type, mesh=mesh,
                   scratch_types=scratch), N_ACC


def _dst_eff_body(ei_ref, out_ref, *, dummy):
  src = ei_ref[0]
  dst = ei_ref[1]
  out_ref[...] = jnp.where(src == dst, jnp.int32(dummy), dst)


def _layer1_body(x_ref, p_ref, c_ref, w_ref, b_ref, o_ref):
  s = p_ref[0] + p_ref[1]
  cnt = jnp.sum(c_ref[0] + c_ref[1], axis=1, keepdims=True) * (1.0 / L)
  mean = s * (1.0 / jnp.maximum(cnt, 1.0))
  d = x_ref.shape[1]
  h = (jnp.dot(x_ref[...], w_ref[:d], preferred_element_type=jnp.float32)
       + jnp.dot(mean, w_ref[d:], preferred_element_type=jnp.float32)
       + b_ref[...])
  h = jnp.maximum(h, 0.0)
  nrm = jnp.maximum(jnp.sqrt(jnp.sum(h * h, axis=1, keepdims=True)), 1e-12)
  o_ref[...] = h / nrm


def _layer2_body(h_ref, p_ref, c_ref, w_ref, b_ref,
                 wp1_ref, bp1_ref, wp2_ref, bp2_ref, o_ref):
  s = p_ref[0] + p_ref[1]
  cnt = jnp.sum(c_ref[0] + c_ref[1], axis=1, keepdims=True) * (1.0 / L)
  mean = s * (1.0 / jnp.maximum(cnt, 1.0))
  d = h_ref.shape[1]
  h = (jnp.dot(h_ref[...], w_ref[:d], preferred_element_type=jnp.float32)
       + jnp.dot(mean, w_ref[d:], preferred_element_type=jnp.float32)
       + b_ref[...])
  h = jnp.maximum(h, 0.0)
  nrm = jnp.maximum(jnp.sqrt(jnp.sum(h * h, axis=1, keepdims=True)), 1e-12)
  h = h / nrm
  z = jnp.dot(h, wp1_ref[...], preferred_element_type=jnp.float32) + bp1_ref[...]
  z = jnp.dot(z, wp2_ref[...], preferred_element_type=jnp.float32) + bp2_ref[...]
  m = jnp.max(z, axis=1, keepdims=True)
  z = z - m
  lse = jnp.log(jnp.sum(jnp.exp(z), axis=1, keepdims=True))
  o_ref[...] = z - lse


@jax.jit
def kernel(x, edge_index, batch, W1, b1, W2, b2, Wp1, bp1, Wp2, bp2):
  del batch
  N, D = x.shape
  E = edge_index.shape[1]
  E_pad = _ceil_to(E, NC * NS * CH)
  BN = 1000 if N % 1000 == 0 else N
  G = N // BN

  N_ACC = _ceil_to(N + 1, NS * L)
  P = E_pad - E
  pad = jnp.stack([
      jnp.zeros((P,), jnp.int32),
      N + (jnp.arange(P, dtype=jnp.int32) % (N_ACC - N)),
  ])
  ei = jnp.concatenate([edge_index, pad], axis=1)
  ei_blk = ei.reshape(2, E_pad // CH, CH)
  src = ei_blk[0]

  dst_eff = pl.pallas_call(
      functools.partial(_dst_eff_body, dummy=N),
      out_shape=jax.ShapeDtypeStruct((E_pad // CH, CH), jnp.int32),
  )(ei_blk)
  sd = jnp.stack([src, dst_eff], axis=1)

  cntk, _ = _make_counts(N, E_pad, CH)
  (pcnt1,) = cntk(dst_eff.reshape(E_pad))
  pcnt1 = pcnt1.reshape(NC, N_ACC, L)

  seg1, _ = _make_seg_sum(N, D, E_pad, CH)
  (psum1,) = seg1(x, sd)
  psum1 = psum1.reshape(NC, N_ACC, D)

  grid = (G,)
  h1 = pl.pallas_call(
      _layer1_body,
      grid=grid,
      in_specs=[
          pl.BlockSpec((BN, D), lambda i: (i, 0)),
          pl.BlockSpec((NC, BN, D), lambda i: (0, i, 0)),
          pl.BlockSpec((NC, BN, L), lambda i: (0, i, 0)),
          pl.BlockSpec((2 * D, D), lambda i: (0, 0)),
          pl.BlockSpec((1, D), lambda i: (0, 0)),
      ],
      out_specs=pl.BlockSpec((BN, D), lambda i: (i, 0)),
      out_shape=jax.ShapeDtypeStruct((N, D), jnp.float32),
  )(x, psum1, pcnt1, W1, b1.reshape(1, D))

  seg2, _ = _make_seg_sum(N, D, E_pad, CH)
  (psum2,) = seg2(h1, sd)
  psum2 = psum2.reshape(NC, N_ACC, D)

  out = pl.pallas_call(
      _layer2_body,
      grid=grid,
      in_specs=[
          pl.BlockSpec((BN, D), lambda i: (i, 0)),
          pl.BlockSpec((NC, BN, D), lambda i: (0, i, 0)),
          pl.BlockSpec((NC, BN, L), lambda i: (0, i, 0)),
          pl.BlockSpec((2 * D, D), lambda i: (0, 0)),
          pl.BlockSpec((1, D), lambda i: (0, 0)),
          pl.BlockSpec((D, D), lambda i: (0, 0)),
          pl.BlockSpec((1, D), lambda i: (0, 0)),
          pl.BlockSpec((D, D), lambda i: (0, 0)),
          pl.BlockSpec((1, D), lambda i: (0, 0)),
      ],
      out_specs=pl.BlockSpec((BN, D), lambda i: (i, 0)),
      out_shape=jax.ShapeDtypeStruct((N, D), jnp.float32),
  )(h1, psum2, pcnt1, W2, b2.reshape(1, D),
    Wp1, bp1.reshape(1, D), Wp2, bp2.reshape(1, D))

  return out

# --- scband reference (transcript-rebuilt; emitter-appended) ---
"""Pipeline reference for scband-gnnstack-22866405883982 (READ-ONLY COPY).

The authoritative reference and input builder live on the scoring server;
editing this copy changes nothing except your own understanding.
"""

import jax, jax.numpy as jnp
import numpy as np

N, E, D = 10000, 320000, 128

def setup_inputs(seed: int = 0) -> dict:
    key = jax.random.key(seed)
    ks = jax.random.split(key, 12)
    x = jax.random.normal(ks[0], (N, D), dtype=jnp.float32)
    edge_index = jax.random.randint(ks[1], (2, E), 0, N, dtype=jnp.int32)
    batch = jnp.zeros((N,), dtype=jnp.int32)
    s = 0.05
    W1 = jax.random.normal(ks[2], (2 * D, D), dtype=jnp.float32) * s
    b1 = jnp.zeros((D,), dtype=jnp.float32)
    W2 = jax.random.normal(ks[3], (2 * D, D), dtype=jnp.float32) * s
    b2 = jnp.zeros((D,), dtype=jnp.float32)
    Wp1 = jax.random.normal(ks[4], (D, D), dtype=jnp.float32) * s
    bp1 = jnp.zeros((D,), dtype=jnp.float32)
    Wp2 = jax.random.normal(ks[5], (D, D), dtype=jnp.float32) * s
    bp2 = jnp.zeros((D,), dtype=jnp.float32)
    return {"x": x, "edge_index": edge_index, "batch": batch,
            "W1": W1, "b1": b1, "W2": W2, "b2": b2,
            "Wp1": Wp1, "bp1": bp1, "Wp2": Wp2, "bp2": bp2}

def graphsage_layer(x, edge_index, W, b):
    # PyG MessagePassing aggr='mean', flow source_to_target, self-loops removed
    src = edge_index[0]
    dst = edge_index[1]
    m = (src != dst).astype(x.dtype)  # remove_self_loops via zero-weighting
    msgs = jnp.take(x, src, axis=0) * m[:, None]
    summed = jax.ops.segment_sum(msgs, dst, num_segments=x.shape[0])
    cnt = jax.ops.segment_sum(m, dst, num_segments=x.shape[0])
    mean = summed / jnp.clip(cnt, 1.0)[:, None]
    h = jnp.concatenate([x, mean], axis=1)  # update: cat(x, aggr_out)
    out = jax.nn.relu(h @ W + b)  # agg_lin + relu
    nrm = jnp.clip(jnp.linalg.norm(out, axis=1, keepdims=True), 1e-12)  # F.normalize p=2
    return out / nrm

def reference(x, edge_index, batch, W1, b1, W2, b2, Wp1, bp1, Wp2, bp2):
    h = graphsage_layer(x, edge_index, W1, b1)
    h = jax.nn.relu(h)  # dropout p=0.0 is identity
    h = graphsage_layer(h, edge_index, W2, b2)
    h = jax.nn.relu(h)
    # post_mp: Linear -> Dropout(0.0) -> Linear
    h = h @ Wp1 + bp1
    h = h @ Wp2 + bp2
    return jax.nn.log_softmax(h, axis=1)

if __name__ == "__main__":
    import jax
    _d = setup_inputs()
    print(jax.jit(kernel)(*tuple(_d.values())))

</pallas_src>

<mosaic_0001>
#map = affine_map<(d0, d1) -> (0, 0)>
#map1 = affine_map<(d0, d1) -> (0, 0, 0)>
module attributes {stable_mosaic.version = 14 : i64} {
  func.func @body(%arg0: i32, %arg1: i32, %arg2: memref<10000x128xf32, #tpu.memory_space<hbm>>, %arg3: memref<2528x2x128xi32, #tpu.memory_space<hbm>>, %arg4: memref<20480x128xf32, #tpu.memory_space<hbm>>, %arg5: memref<2x128xi32, #tpu.memory_space<vmem>>, %arg6: memref<128x128xf32, #tpu.memory_space<vmem>>, %arg7: memref<10240x128xf32, #tpu.memory_space<vmem_shared>>, %arg8: memref<!tpu.dma_semaphore, #tpu.memory_space<semaphore_mem>>) attributes {dimension_semantics = [#tpu.dimension_semantics<core_parallel>, #tpu.dimension_semantics<subcore_parallel>], iteration_bounds = array<i64: 2, 16>, scalar_prefetch = 0 : i64, scratch_operands = 4 : i64, tpu.core_type = #tpu.core_type<sc_vector_subcore>, window_params = [{transform_indices = #map}, {transform_indices = #map1}, {transform_indices = #map}]} {
    %mul3A = arith.constant 2 : i32
    %mul3A_0 = arith.muli %arg1, %mul3A : i32
    %add3A = arith.addi %mul3A_0, %arg0 : i32
    %mul3A_1 = arith.constant 640 : i32
    %mul3A_2 = arith.muli %arg1, %mul3A_1 : i32
    %mul3A_3 = arith.constant 10240 : i32
    %mul3A_4 = arith.muli %arg0, %mul3A_3 : i32
    %add3A_5 = arith.addi %mul3A_4, %mul3A_2 : i32
    %broadcast_in_dim3A = arith.constant 0.000000e+00 : f32
    %broadcast_in_dim3A_6 = vector.broadcast %broadcast_in_dim3A : f32 to vector<16xf32>
    %scan3A = arith.constant 0 : i32
    %scan3A_7 = arith.constant 128 : i32
    %scan3A_8 = arith.addi %scan3A, %scan3A_7 : i32
    %scan3A_9 = arith.constant 1 : i32
    scf.for %scan3A_27 = %scan3A to %scan3A_8 step %scan3A_9  : i32 {
      %mul3A_28 = arith.constant 1 : i32
      %mul3A_29 = arith.muli %scan3A_27, %mul3A_28 : i32
      %add3A_30 = arith.constant 0 : i32
      %add3A_31 = arith.addi %add3A_30, %mul3A_29 : i32
      %swap3A = arith.index_cast %add3A_31 : i32 to index
      %swap3A_32 = arith.constant 0 : index
      %swap3A_33 = tpu.vector_load %arg6[%swap3A, %swap3A_32] {strides = array<i32>} : memref<128x128xf32, #tpu.memory_space<vmem>>, vector<1x16xf32>,
      %swap3A_34 = vector.shape_cast %swap3A_33 : vector<1x16xf32> to vector<16xf32>
      %swap3A_35 = vector.shape_cast %broadcast_in_dim3A_6 : vector<16xf32> to vector<1x16xf32>
      tpu.vector_store %arg6[%swap3A, %swap3A_32], %swap3A_35 {strides = array<i32>} : memref<128x128xf32, #tpu.memory_space<vmem>>, vector<1x16xf32>,
      %swap3A_36 = arith.index_cast %add3A_31 : i32 to index
      %swap3A_37 = arith.constant 16 : index
      %swap3A_38 = tpu.vector_load %arg6[%swap3A_36, %swap3A_37] {strides = array<i32>} : memref<128x128xf32, #tpu.memory_space<vmem>>, vector<1x16xf32>,
      %swap3A_39 = vector.shape_cast %swap3A_38 : vector<1x16xf32> to vector<16xf32>
      %swap3A_40 = vector.shape_cast %broadcast_in_dim3A_6 : vector<16xf32> to vector<1x16xf32>
      tpu.vector_store %arg6[%swap3A_36, %swap3A_37], %swap3A_40 {strides = array<i32>} : memref<128x128xf32, #tpu.memory_space<vmem>>, vector<1x16xf32>,
      %swap3A_41 = arith.index_cast %add3A_31 : i32 to index
      %swap3A_42 = arith.constant 32 : index
      %swap3A_43 = tpu.vector_load %arg6[%swap3A_41, %swap3A_42] {strides = array<i32>} : memref<128x128xf32, #tpu.memory_space<vmem>>, vector<1x16xf32>,
      %swap3A_44 = vector.shape_cast %swap3A_43 : vector<1x16xf32> to vector<16xf32>
      %swap3A_45 = vector.shape_cast %broadcast_in_dim3A_6 : vector<16xf32> to vector<1x16xf32>
      tpu.vector_store %arg6[%swap3A_41, %swap3A_42], %swap3A_45 {strides = array<i32>} : memref<128x128xf32, #tpu.memory_space<vmem>>, vector<1x16xf32>,
      %swap3A_46 = arith.index_cast %add3A_31 : i32 to index
      %swap3A_47 = arith.constant 48 : index
      %swap3A_48 = tpu.vector_load %arg6[%swap3A_46, %swap3A_47] {strides = array<i32>} : memref<128x128xf32, #tpu.memory_space<vmem>>, vector<1x16xf32>,
      %swap3A_49 = vector.shape_cast %swap3A_48 : vector<1x16xf32> to vector<16xf32>
      %swap3A_50 = vector.shape_cast %broadcast_in_dim3A_6 : vector<16xf32> to vector<1x16xf32>
      tpu.vector_store %arg6[%swap3A_46, %swap3A_47], %swap3A_50 {strides = array<i32>} : memref<128x128xf32, #tpu.memory_space<vmem>>, vector<1x16xf32>,
      %swap3A_51 = arith.index_cast %add3A_31 : i32 to index
      %swap3A_52 = arith.constant 64 : index
      %swap3A_53 = tpu.vector_load %arg6[%swap3A_51, %swap3A_52] {strides = array<i32>} : memref<128x128xf32, #tpu.memory_space<vmem>>, vector<1x16xf32>,
      %swap3A_54 = vector.shape_cast %swap3A_53 : vector<1x16xf32> to vector<16xf32>
      %swap3A_55 = vector.shape_cast %broadcast_in_dim3A_6 : vector<16xf32> to vector<1x16xf32>
      tpu.vector_store %arg6[%swap3A_51, %swap3A_52], %swap3A_55 {strides = array<i32>} : memref<128x128xf32, #tpu.memory_space<vmem>>, vector<1x16xf32>,
      %swap3A_56 = arith.index_cast %add3A_31 : i32 to index
      %swap3A_57 = arith.constant 80 : index
      %swap3A_58 = tpu.vector_load %arg6[%swap3A_56, %swap3A_57] {strides = array<i32>} : memref<128x128xf32, #tpu.memory_space<vmem>>, vector<1x16xf32>,
      %swap3A_59 = vector.shape_cast %swap3A_58 : vector<1x16xf32> to vector<16xf32>
      %swap3A_60 = vector.shape_cast %broadcast_in_dim3A_6 : vector<16xf32> to vector<1x16xf32>
      tpu.vector_store %arg6[%swap3A_56, %swap3A_57], %swap3A_60 {strides = array<i32>} : memref<128x128xf32, #tpu.memory_space<vmem>>, vector<1x16xf32>,
      %swap3A_61 = arith.index_cast %add3A_31 : i32 to index
      %swap3A_62 = arith.constant 96 : index
      %swap3A_63 = tpu.vector_load %arg6[%swap3A_61, %swap3A_62] {strides = array<i32>} : memref<128x128xf32, #tpu.memory_space<vmem>>, vector<1x16xf32>,
      %swap3A_64 = vector.shape_cast %swap3A_63 : vector<1x16xf32> to vector<16xf32>
      %swap3A_65 = vector.shape_cast %broadcast_in_dim3A_6 : vector<16xf32> to vector<1x16xf32>
      tpu.vector_store %arg6[%swap3A_61, %swap3A_62], %swap3A_65 {strides = array<i32>} : memref<128x128xf32, #tpu.memory_space<vmem>>, vector<1x16xf32>,
      %swap3A_66 = arith.index_cast %add3A_31 : i32 to index
      %swap3A_67 = arith.constant 112 : index
      %swap3A_68 = tpu.vector_load %arg6[%swap3A_66, %swap3A_67] {strides = array<i32>} : memref<128x128xf32, #tpu.memory_space<vmem>>, vector<1x16xf32>,
      %swap3A_69 = vector.shape_cast %swap3A_68 : vector<1x16xf32> to vector<16xf32>
      %swap3A_70 = vector.shape_cast %broadcast_in_dim3A_6 : vector<16xf32> to vector<1x16xf32>
      tpu.vector_store %arg6[%swap3A_66, %swap3A_67], %swap3A_70 {strides = array<i32>} : memref<128x128xf32, #tpu.memory_space<vmem>>, vector<1x16xf32>,
    }
    %scan3A_10 = arith.constant 128 : i32
    %scan3A_11 = arith.constant 0 : i32
    %scan3A_12 = arith.constant 5 : i32
    %scan3A_13 = arith.addi %scan3A_11, %scan3A_12 : i32
    %scan3A_14 = arith.constant 1 : i32
    scf.for %scan3A_27 = %scan3A_11 to %scan3A_13 step %scan3A_14  : i32 {
      %mul3A_28 = arith.constant 1 : i32
      %mul3A_29 = arith.muli %scan3A_27, %mul3A_28 : i32
      %add3A_30 = arith.constant 0 : i32
      %add3A_31 = arith.addi %add3A_30, %mul3A_29 : i32
      %mul3A_32 = arith.constant 128 : i32
      %mul3A_33 = arith.muli %add3A_31, %mul3A_32 : i32
      %add3A_34 = arith.addi %mul3A_2, %mul3A_33 : i32
      "tpu.region"() ({
        %run_scoped3A = tpu.sem_alloc : memref<!tpu.dma_semaphore, #tpu.memory_space<semaphore_mem>>
        %dma_start3A = arith.constant 0 : i32
        %dma_start3A_35 = arith.constant 0 : i32
        %dma_start3A_36 = tpu.memref_slice %arg6[%dma_start3A, %dma_start3A_35] : memref<128x128xf32, #tpu.memory_space<vmem>> -> memref<128x128xf32, #tpu.memory_space<vmem>>
        %dma_start3A_37 = arith.constant 0 : i32
        %dma_start3A_38 = tpu.memref_slice %arg7[%add3A_34, %dma_start3A_37] : memref<10240x128xf32, #tpu.memory_space<vmem_shared>> -> memref<128x128xf32, #tpu.memory_space<vmem_shared>>
        %dma_start3A_39 = arith.constant 0 : i32
        %dma_start3A_40 = tpu.memref_slice %arg7[%add3A_34, %dma_start3A_39] : memref<10240x128xf32, #tpu.memory_space<vmem_shared>> -> memref<128x128xf32, #tpu.memory_space<vmem_shared>>
        %dma_start3A_41 = arith.constant 0 : i32
        %dma_start3A_42 = arith.constant 0 : i32
        %dma_start3A_43 = tpu.memref_slice %arg6[%dma_start3A_41, %dma_start3A_42] : memref<128x128xf32, #tpu.memory_space<vmem>> -> memref<128x128xf32, #tpu.memory_space<vmem>>
        tpu.enqueue_dma source(%dma_start3A_43 : memref<128x128xf32, #tpu.memory_space<vmem>>) target(%dma_start3A_40 : memref<128x128xf32, #tpu.memory_space<vmem_shared>>) target_semaphore(%run_scoped3A : memref<!tpu.dma_semaphore, #tpu.memory_space<semaphore_mem>>)
        %dma_wait3A = arith.constant 0 : i32
        %dma_wait3A_44 = arith.constant 0 : i32
        %dma_wait3A_45 = tpu.memref_slice %arg6[%dma_wait3A, %dma_wait3A_44] : memref<128x128xf32, #tpu.memory_space<vmem>> -> memref<128x128xf32, #tpu.memory_space<vmem>>
        %dma_wait3A_46 = arith.constant 0 : i32
        %dma_wait3A_47 = tpu.memref_slice %arg7[%add3A_34, %dma_wait3A_46] : memref<10240x128xf32, #tpu.memory_space<vmem_shared>> -> memref<128x128xf32, #tpu.memory_space<vmem_shared>>
        %dma_wait3A_48 = arith.constant 0 : i32
        %dma_wait3A_49 = tpu.memref_slice %arg7[%add3A_34, %dma_wait3A_48] : memref<10240x128xf32, #tpu.memory_space<vmem_shared>> -> memref<128x128xf32, #tpu.memory_space<vmem_shared>>
        %dma_wait3A_50 = arith.constant 0 : i32
        %dma_wait3A_51 = arith.constant 0 : i32
        %dma_wait3A_52 = tpu.memref_slice %arg6[%dma_wait3A_50, %dma_wait3A_51] : memref<128x128xf32, #tpu.memory_space<vmem>> -> memref<128x128xf32, #tpu.memory_space<vmem>>
        tpu.wait_dma2 semaphore(%run_scoped3A : memref<!tpu.dma_semaphore, #tpu.memory_space<semaphore_mem>>) src(%dma_wait3A_52 : memref<128x128xf32, #tpu.memory_space<vmem>>) dst(%dma_wait3A_49 : memref<128x128xf32, #tpu.memory_space<vmem_shared>>)
        tpu.yield
      }) : () -> ()
    }
    %scan3A_15 = arith.constant 5 : i32
    %barrier3A = arith.constant 0 : index
    tpu.barrier barrier_id(%barrier3A)
    %scan3A_16 = arith.constant 0 : i32
    %scan3A_17 = arith.constant 79 : i32
    %scan3A_18 = arith.addi %scan3A_16, %scan3A_17 : i32
    %scan3A_19 = arith.constant 1 : i32
    scf.for %scan3A_27 = %scan3A_16 to %scan3A_18 step %scan3A_19  : i32 {
      %mul3A_28 = arith.constant 1 : i32
      %mul3A_29 = arith.muli %scan3A_27, %mul3A_28 : i32
      %add3A_30 = arith.constant 0 : i32
      %add3A_31 = arith.addi %add3A_30, %mul3A_29 : i32
      %mul3A_32 = arith.constant 32 : i32
      %mul3A_33 = arith.muli %add3A_31, %mul3A_32 : i32
      %add3A_34 = arith.addi %mul3A_33, %add3A : i32
      "tpu.region"() ({
        %run_scoped3A_47 = tpu.sem_alloc : memref<!tpu.dma_semaphore, #tpu.memory_space<semaphore_mem>>
        %dma_start3A_48 = arith.constant 0 : i32
        %dma_start3A_49 = arith.constant 0 : i32
        %dma_start3A_50 = tpu.memref_slice %arg3[%add3A_34, %dma_start3A_48, %dma_start3A_49] : memref<2528x2x128xi32, #tpu.memory_space<hbm>> -> memref<1x2x128xi32, #tpu.memory_space<hbm>>
        %dma_start3A_51 = tpu.memref_squeeze %dma_start3A_50 : memref<1x2x128xi32, #tpu.memory_space<hbm>> -> memref<2x128xi32, #tpu.memory_space<hbm>>
        %dma_start3A_52 = arith.constant 0 : i32
        %dma_start3A_53 = arith.constant 0 : i32
        %dma_start3A_54 = tpu.memref_slice %arg3[%add3A_34, %dma_start3A_52, %dma_start3A_53] : memref<2528x2x128xi32, #tpu.memory_space<hbm>> -> memref<1x2x128xi32, #tpu.memory_space<hbm>>
        %dma_start3A_55 = tpu.memref_squeeze %dma_start3A_54 : memref<1x2x128xi32, #tpu.memory_space<hbm>> -> memref<2x128xi32, #tpu.memory_space<hbm>>
        tpu.enqueue_dma source(%dma_start3A_55 : memref<2x128xi32, #tpu.memory_space<hbm>>) target(%arg5 : memref<2x128xi32, #tpu.memory_space<vmem>>) target_semaphore(%run_scoped3A_47 : memref<!tpu.dma_semaphore, #tpu.memory_space<semaphore_mem>>)
        %dma_wait3A_56 = arith.constant 0 : i32
        %dma_wait3A_57 = arith.constant 0 : i32
        %dma_wait3A_58 = tpu.memref_slice %arg3[%add3A_34, %dma_wait3A_56, %dma_wait3A_57] : memref<2528x2x128xi32, #tpu.memory_space<hbm>> -> memref<1x2x128xi32, #tpu.memory_space<hbm>>
        %dma_wait3A_59 = tpu.memref_squeeze %dma_wait3A_58 : memref<1x2x128xi32, #tpu.memory_space<hbm>> -> memref<2x128xi32, #tpu.memory_space<hbm>>
        %dma_wait3A_60 = arith.constant 0 : i32
        %dma_wait3A_61 = arith.constant 0 : i32
        %dma_wait3A_62 = tpu.memref_slice %arg3[%add3A_34, %dma_wait3A_60, %dma_wait3A_61] : memref<2528x2x128xi32, #tpu.memory_space<hbm>> -> memref<1x2x128xi32, #tpu.memory_space<hbm>>
        %dma_wait3A_63 = tpu.memref_squeeze %dma_wait3A_62 : memref<1x2x128xi32, #tpu.memory_space<hbm>> -> memref<2x128xi32, #tpu.memory_space<hbm>>
        tpu.wait_dma2 semaphore(%run_scoped3A_47 : memref<!tpu.dma_semaphore, #tpu.memory_space<semaphore_mem>>) src(%dma_wait3A_63 : memref<2x128xi32, #tpu.memory_space<hbm>>) dst(%arg5 : memref<2x128xi32, #tpu.memory_space<vmem>>)
        tpu.yield
      }) : () -> ()
      %dma_start3A = arith.constant 0 : i32
      %dma_start3A_35 = arith.constant 0 : i32
      %dma_start3A_36 = tpu.memref_slice %arg5[%dma_start3A, %dma_start3A_35] : memref<2x128xi32, #tpu.memory_space<vmem>> -> memref<1x128xi32, #tpu.memory_space<vmem>>
      %dma_start3A_37 = tpu.memref_squeeze %dma_start3A_36 : memref<1x128xi32, #tpu.memory_space<vmem>> -> memref<128xi32, #tpu.memory_space<vmem>>
      %dma_start3A_38 = arith.constant 0 : i32
      %dma_start3A_39 = arith.constant 0 : i32
      %dma_start3A_40 = tpu.memref_slice %arg2[%dma_start3A_38, %dma_start3A_39] : memref<10000x128xf32, #tpu.memory_space<hbm>> -> memref<10000x128xf32, #tpu.memory_space<hbm>>
      tpu.enqueue_indirect_dma source(%dma_start3A_40 : memref<10000x128xf32, #tpu.memory_space<hbm>>) target(%arg6 : memref<128x128xf32, #tpu.memory_space<vmem>>) offsets(%dma_start3A_37 : memref<128xi32, #tpu.memory_space<vmem>>) semaphore(%arg8 : memref<!tpu.dma_semaphore, #tpu.memory_space<semaphore_mem>>)
      %dma_wait3A = arith.constant 0 : i32
      %dma_wait3A_41 = arith.constant 0 : i32
      %dma_wait3A_42 = tpu.memref_slice %arg5[%dma_wait3A, %dma_wait3A_41] : memref<2x128xi32, #tpu.memory_space<vmem>> -> memref<1x128xi32, #tpu.memory_space<vmem>>
      %dma_wait3A_43 = tpu.memref_squeeze %dma_wait3A_42 : memref<1x128xi32, #tpu.memory_space<vmem>> -> memref<128xi32, #tpu.memory_space<vmem>>
      %dma_wait3A_44 = arith.constant 0 : i32
      %dma_wait3A_45 = arith.constant 0 : i32
      %dma_wait3A_46 = tpu.memref_slice %arg2[%dma_wait3A_44, %dma_wait3A_45] : memref<10000x128xf32, #tpu.memory_space<hbm>> -> memref<10000x128xf32, #tpu.memory_space<hbm>>
      tpu.wait_indirect_dma semaphore(%arg8 : memref<!tpu.dma_semaphore, #tpu.memory_space<semaphore_mem>>) src(%dma_wait3A_46 : memref<10000x128xf32, #tpu.memory_space<hbm>>) dst(%arg6 : memref<128x128xf32, #tpu.memory_space<vmem>>)
      %run_scoped3A = arith.constant 1 : i32
      "tpu.region"() ({
        %run_scoped3A_47 = tpu.sem_alloc : memref<!tpu.dma_semaphore, #tpu.memory_space<semaphore_mem>>
        %dma_start3A_48 = arith.constant 0 : i32
        %dma_start3A_49 = tpu.memref_slice %arg5[%run_scoped3A, %dma_start3A_48] : memref<2x128xi32, #tpu.memory_space<vmem>> -> memref<1x128xi32, #tpu.memory_space<vmem>>
        %dma_start3A_50 = tpu.memref_squeeze %dma_start3A_49 : memref<1x128xi32, #tpu.memory_space<vmem>> -> memref<128xi32, #tpu.memory_space<vmem>>
        %dma_start3A_51 = arith.constant 0 : i32
        %dma_start3A_52 = arith.constant 0 : i32
        %dma_start3A_53 = tpu.memref_slice %arg7[%dma_start3A_51, %dma_start3A_52] : memref<10240x128xf32, #tpu.memory_space<vmem_shared>> -> memref<10240x128xf32, #tpu.memory_space<vmem_shared>>
        tpu.enqueue_indirect_dma source(%arg6 : memref<128x128xf32, #tpu.memory_space<vmem>>) target(%dma_start3A_53 : memref<10240x128xf32, #tpu.memory_space<vmem_shared>>) offsets(%dma_start3A_50 : memref<128xi32, #tpu.memory_space<vmem>>) semaphore(%run_scoped3A_47 : memref<!tpu.dma_semaphore, #tpu.memory_space<semaphore_mem>>) {add = true}
        %dma_wait3A_54 = arith.constant 0 : i32
        %dma_wait3A_55 = tpu.memref_slice %arg5[%run_scoped3A, %dma_wait3A_54] : memref<2x128xi32, #tpu.memory_space<vmem>> -> memref<1x128xi32, #tpu.memory_space<vmem>>
        %dma_wait3A_56 = tpu.memref_squeeze %dma_wait3A_55 : memref<1x128xi32, #tpu.memory_space<vmem>> -> memref<128xi32, #tpu.memory_space<vmem>>
        %dma_wait3A_57 = arith.constant 0 : i32
        %dma_wait3A_58 = arith.constant 0 : i32
        %dma_wait3A_59 = tpu.memref_slice %arg7[%dma_wait3A_57, %dma_wait3A_58] : memref<10240x128xf32, #tpu.memory_space<vmem_shared>> -> memref<10240x128xf32, #tpu.memory_space<vmem_shared>>
        tpu.wait_indirect_dma semaphore(%run_scoped3A_47 : memref<!tpu.dma_semaphore, #tpu.memory_space<semaphore_mem>>) src(%arg6 : memref<128x128xf32, #tpu.memory_space<vmem>>) dst(%dma_wait3A_59 : memref<10240x128xf32, #tpu.memory_space<vmem_shared>>)
        tpu.yield
      }) : () -> ()
    }
    %scan3A_20 = arith.constant 79 : i32
    %barrier3A_21 = arith.constant 0 : index
    tpu.barrier barrier_id(%barrier3A_21)
    %scan3A_22 = arith.constant 0 : i32
    %scan3A_23 = arith.constant 5 : i32
    %scan3A_24 = arith.addi %scan3A_22, %scan3A_23 : i32
    %scan3A_25 = arith.constant 1 : i32
    scf.for %scan3A_27 = %scan3A_22 to %scan3A_24 step %scan3A_25  : i32 {
      %mul3A_28 = arith.constant 1 : i32
      %mul3A_29 = arith.muli %scan3A_27, %mul3A_28 : i32
      %add3A_30 = arith.constant 0 : i32
      %add3A_31 = arith.addi %add3A_30, %mul3A_29 : i32
      %mul3A_32 = arith.constant 128 : i32
      %mul3A_33 = arith.muli %add3A_31, %mul3A_32 : i32
      %add3A_34 = arith.addi %mul3A_2, %mul3A_33 : i32
      "tpu.region"() ({
        %run_scoped3A = tpu.sem_alloc : memref<!tpu.dma_semaphore, #tpu.memory_space<semaphore_mem>>
        %dma_start3A = arith.constant 0 : i32
        %dma_start3A_38 = arith.constant 0 : i32
        %dma_start3A_39 = tpu.memref_slice %arg6[%dma_start3A, %dma_start3A_38] : memref<128x128xf32, #tpu.memory_space<vmem>> -> memref<128x128xf32, #tpu.memory_space<vmem>>
        %dma_start3A_40 = arith.constant 0 : i32
        %dma_start3A_41 = tpu.memref_slice %arg7[%add3A_34, %dma_start3A_40] : memref<10240x128xf32, #tpu.memory_space<vmem_shared>> -> memref<128x128xf32, #tpu.memory_space<vmem_shared>>
        %dma_start3A_42 = arith.constant 0 : i32
        %dma_start3A_43 = arith.constant 0 : i32
        %dma_start3A_44 = tpu.memref_slice %arg6[%dma_start3A_42, %dma_start3A_43] : memref<128x128xf32, #tpu.memory_space<vmem>> -> memref<128x128xf32, #tpu.memory_space<vmem>>
        %dma_start3A_45 = arith.constant 0 : i32
        %dma_start3A_46 = tpu.memref_slice %arg7[%add3A_34, %dma_start3A_45] : memref<10240x128xf32, #tpu.memory_space<vmem_shared>> -> memref<128x128xf32, #tpu.memory_space<vmem_shared>>
        tpu.enqueue_dma source(%dma_start3A_46 : memref<128x128xf32, #tpu.memory_space<vmem_shared>>) target(%dma_start3A_44 : memref<128x128xf32, #tpu.memory_space<vmem>>) target_semaphore(%run_scoped3A : memref<!tpu.dma_semaphore, #tpu.memory_space<semaphore_mem>>)
        %dma_wait3A = arith.constant 0 : i32
        %dma_wait3A_47 = arith.constant 0 : i32
        %dma_wait3A_48 = tpu.memref_slice %arg6[%dma_wait3A, %dma_wait3A_47] : memref<128x128xf32, #tpu.memory_space<vmem>> -> memref<128x128xf32, #tpu.memory_space<vmem>>
        %dma_wait3A_49 = arith.constant 0 : i32
        %dma_wait3A_50 = tpu.memref_slice %arg7[%add3A_34, %dma_wait3A_49] : memref<10240x128xf32, #tpu.memory_space<vmem_shared>> -> memref<128x128xf32, #tpu.memory_space<vmem_shared>>
        %dma_wait3A_51 = arith.constant 0 : i32
        %dma_wait3A_52 = arith.constant 0 : i32
        %dma_wait3A_53 = tpu.memref_slice %arg6[%dma_wait3A_51, %dma_wait3A_52] : memref<128x128xf32, #tpu.memory_space<vmem>> -> memref<128x128xf32, #tpu.memory_space<vmem>>
        %dma_wait3A_54 = arith.constant 0 : i32
        %dma_wait3A_55 = tpu.memref_slice %arg7[%add3A_34, %dma_wait3A_54] : memref<10240x128xf32, #tpu.memory_space<vmem_shared>> -> memref<128x128xf32, #tpu.memory_space<vmem_shared>>
        tpu.wait_dma2 semaphore(%run_scoped3A : memref<!tpu.dma_semaphore, #tpu.memory_space<semaphore_mem>>) src(%dma_wait3A_55 : memref<128x128xf32, #tpu.memory_space<vmem_shared>>) dst(%dma_wait3A_53 : memref<128x128xf32, #tpu.memory_space<vmem>>)
        tpu.yield
      }) : () -> ()
      %mul3A_35 = arith.constant 128 : i32
      %mul3A_36 = arith.muli %add3A_31, %mul3A_35 : i32
      %add3A_37 = arith.addi %add3A_5, %mul3A_36 : i32
      "tpu.region"() ({
        %run_scoped3A = tpu.sem_alloc : memref<!tpu.dma_semaphore, #tpu.memory_space<semaphore_mem>>
        %dma_start3A = arith.constant 0 : i32
        %dma_start3A_38 = arith.constant 0 : i32
        %dma_start3A_39 = tpu.memref_slice %arg6[%dma_start3A, %dma_start3A_38] : memref<128x128xf32, #tpu.memory_space<vmem>> -> memref<128x128xf32, #tpu.memory_space<vmem>>
        %dma_start3A_40 = arith.constant 0 : i32
        %dma_start3A_41 = tpu.memref_slice %arg4[%add3A_37, %dma_start3A_40] : memref<20480x128xf32, #tpu.memory_space<hbm>> -> memref<128x128xf32, #tpu.memory_space<hbm>>
        %dma_start3A_42 = arith.constant 0 : i32
        %dma_start3A_43 = tpu.memref_slice %arg4[%add3A_37, %dma_start3A_42] : memref<20480x128xf32, #tpu.memory_space<hbm>> -> memref<128x128xf32, #tpu.memory_space<hbm>>
        %dma_start3A_44 = arith.constant 0 : i32
        %dma_start3A_45 = arith.constant 0 : i32
        %dma_start3A_46 = tpu.memref_slice %arg6[%dma_start3A_44, %dma_start3A_45] : memref<128x128xf32, #tpu.memory_space<vmem>> -> memref<128x128xf32, #tpu.memory_space<vmem>>
        tpu.enqueue_dma source(%dma_start3A_46 : memref<128x128xf32, #tpu.memory_space<vmem>>) target(%dma_start3A_43 : memref<128x128xf32, #tpu.memory_space<hbm>>) target_semaphore(%run_scoped3A : memref<!tpu.dma_semaphore, #tpu.memory_space<semaphore_mem>>)
        %dma_wait3A = arith.constant 0 : i32
        %dma_wait3A_47 = arith.constant 0 : i32
        %dma_wait3A_48 = tpu.memref_slice %arg6[%dma_wait3A, %dma_wait3A_47] : memref<128x128xf32, #tpu.memory_space<vmem>> -> memref<128x128xf32, #tpu.memory_space<vmem>>
        %dma_wait3A_49 = arith.constant 0 : i32
        %dma_wait3A_50 = tpu.memref_slice %arg4[%add3A_37, %dma_wait3A_49] : memref<20480x128xf32, #tpu.memory_space<hbm>> -> memref<128x128xf32, #tpu.memory_space<hbm>>
        %dma_wait3A_51 = arith.constant 0 : i32
        %dma_wait3A_52 = tpu.memref_slice %arg4[%add3A_37, %dma_wait3A_51] : memref<20480x128xf32, #tpu.memory_space<hbm>> -> memref<128x128xf32, #tpu.memory_space<hbm>>
        %dma_wait3A_53 = arith.constant 0 : i32
        %dma_wait3A_54 = arith.constant 0 : i32
        %dma_wait3A_55 = tpu.memref_slice %arg6[%dma_wait3A_53, %dma_wait3A_54] : memref<128x128xf32, #tpu.memory_space<vmem>> -> memref<128x128xf32, #tpu.memory_space<vmem>>
        tpu.wait_dma2 semaphore(%run_scoped3A : memref<!tpu.dma_semaphore, #tpu.memory_space<semaphore_mem>>) src(%dma_wait3A_55 : memref<128x128xf32, #tpu.memory_space<vmem>>) dst(%dma_wait3A_52 : memref<128x128xf32, #tpu.memory_space<hbm>>)
        tpu.yield
      }) : () -> ()
    }
    %scan3A_26 = arith.constant 5 : i32
    return
  }
}

#map = affine_map<(d0, d1) -> (0, 0)>
#map1 = affine_map<(d0, d1) -> (0, 0, 0)>
module attributes {stable_mosaic.version = 14 : i64} {
  func.func @body(%arg0: i32, %arg1: i32, %arg2: memref<10000x128xf32, #tpu.memory_space<hbm>>, %arg3: memref<2528x2x128xi32, #tpu.memory_space<hbm>>, %arg4: memref<20480x128xf32, #tpu.memory_space<hbm>>, %arg5: memref<2x128xi32, #tpu.memory_space<vmem>>, %arg6: memref<128x128xf32, #tpu.memory_space<vmem>>, %arg7: memref<10240x128xf32, #tpu.memory_space<vmem_shared>>, %arg8: memref<!tpu.dma_semaphore, #tpu.memory_space<semaphore_mem>>) attributes {dimension_semantics = [#tpu.dimension_semantics<core_parallel>, #tpu.dimension_semantics<subcore_parallel>], iteration_bounds = array<i64: 2, 16>, scalar_prefetch = 0 : i64, scratch_operands = 4 : i64, tpu.core_type = #tpu.core_type<sc_vector_subcore>, window_params = [{transform_indices = #map}, {transform_indices = #map1}, {transform_indices = #map}]} {
    %mul3A = arith.constant 2 : i32
    %mul3A_0 = arith.muli %arg1, %mul3A : i32
    %add3A = arith.addi %mul3A_0, %arg0 : i32
    %mul3A_1 = arith.constant 640 : i32
    %mul3A_2 = arith.muli %arg1, %mul3A_1 : i32
    %mul3A_3 = arith.constant 10240 : i32
    %mul3A_4 = arith.muli %arg0, %mul3A_3 : i32
    %add3A_5 = arith.addi %mul3A_4, %mul3A_2 : i32
    %broadcast_in_dim3A = arith.constant 0.000000e+00 : f32
    %broadcast_in_dim3A_6 = vector.broadcast %broadcast_in_dim3A : f32 to vector<16xf32>
    %scan3A = arith.constant 0 : i32
    %scan3A_7 = arith.constant 128 : i32
    %scan3A_8 = arith.addi %scan3A, %scan3A_7 : i32
    %scan3A_9 = arith.constant 1 : i32
    scf.for %scan3A_27 = %scan3A to %scan3A_8 step %scan3A_9  : i32 {
      %mul3A_28 = arith.constant 1 : i32
      %mul3A_29 = arith.muli %scan3A_27, %mul3A_28 : i32
      %add3A_30 = arith.constant 0 : i32
      %add3A_31 = arith.addi %add3A_30, %mul3A_29 : i32
      %swap3A = arith.index_cast %add3A_31 : i32 to index
      %swap3A_32 = arith.constant 0 : index
      %swap3A_33 = tpu.vector_load %arg6[%swap3A, %swap3A_32] {strides = array<i32>} : memref<128x128xf32, #tpu.memory_space<vmem>>, vector<1x16xf32>,
      %swap3A_34 = vector.shape_cast %swap3A_33 : vector<1x16xf32> to vector<16xf32>
      %swap3A_35 = vector.shape_cast %broadcast_in_dim3A_6 : vector<16xf32> to vector<1x16xf32>
      tpu.vector_store %arg6[%swap3A, %swap3A_32], %swap3A_35 {strides = array<i32>} : memref<128x128xf32, #tpu.memory_space<vmem>>, vector<1x16xf32>,
      %swap3A_36 = arith.index_cast %add3A_31 : i32 to index
      %swap3A_37 = arith.constant 16 : index
      %swap3A_38 = tpu.vector_load %arg6[%swap3A_36, %swap3A_37] {strides = array<i32>} : memref<128x128xf32, #tpu.memory_space<vmem>>, vector<1x16xf32>,
      %swap3A_39 = vector.shape_cast %swap3A_38 : vector<1x16xf32> to vector<16xf32>
      %swap3A_40 = vector.shape_cast %broadcast_in_dim3A_6 : vector<16xf32> to vector<1x16xf32>
      tpu.vector_store %arg6[%swap3A_36, %swap3A_37], %swap3A_40 {strides = array<i32>} : memref<128x128xf32, #tpu.memory_space<vmem>>, vector<1x16xf32>,
      %swap3A_41 = arith.index_cast %add3A_31 : i32 to index
      %swap3A_42 = arith.constant 32 : index
      %swap3A_43 = tpu.vector_load %arg6[%swap3A_41, %swap3A_42] {strides = array<i32>} : memref<128x128xf32, #tpu.memory_space<vmem>>, vector<1x16xf32>,
      %swap3A_44 = vector.shape_cast %swap3A_43 : vector<1x16xf32> to vector<16xf32>
      %swap3A_45 = vector.shape_cast %broadcast_in_dim3A_6 : vector<16xf32> to vector<1x16xf32>
      tpu.vector_store %arg6[%swap3A_41, %swap3A_42], %swap3A_45 {strides = array<i32>} : memref<128x128xf32, #tpu.memory_space<vmem>>, vector<1x16xf32>,
      %swap3A_46 = arith.index_cast %add3A_31 : i32 to index
      %swap3A_47 = arith.constant 48 : index
      %swap3A_48 = tpu.vector_load %arg6[%swap3A_46, %swap3A_47] {strides = array<i32>} : memref<128x128xf32, #tpu.memory_space<vmem>>, vector<1x16xf32>,
      %swap3A_49 = vector.shape_cast %swap3A_48 : vector<1x16xf32> to vector<16xf32>
      %swap3A_50 = vector.shape_cast %broadcast_in_dim3A_6 : vector<16xf32> to vector<1x16xf32>
      tpu.vector_store %arg6[%swap3A_46, %swap3A_47], %swap3A_50 {strides = array<i32>} : memref<128x128xf32, #tpu.memory_space<vmem>>, vector<1x16xf32>,
      %swap3A_51 = arith.index_cast %add3A_31 : i32 to index
      %swap3A_52 = arith.constant 64 : index
      %swap3A_53 = tpu.vector_load %arg6[%swap3A_51, %swap3A_52] {strides = array<i32>} : memref<128x128xf32, #tpu.memory_space<vmem>>, vector<1x16xf32>,
      %swap3A_54 = vector.shape_cast %swap3A_53 : vector<1x16xf32> to vector<16xf32>
      %swap3A_55 = vector.shape_cast %broadcast_in_dim3A_6 : vector<16xf32> to vector<1x16xf32>
      tpu.vector_store %arg6[%swap3A_51, %swap3A_52], %swap3A_55 {strides = array<i32>} : memref<128x128xf32, #tpu.memory_space<vmem>>, vector<1x16xf32>,
      %swap3A_56 = arith.index_cast %add3A_31 : i32 to index
      %swap3A_57 = arith.constant 80 : index
      %swap3A_58 = tpu.vector_load %arg6[%swap3A_56, %swap3A_57] {strides = array<i32>} : memref<128x128xf32, #tpu.memory_space<vmem>>, vector<1x16xf32>,
      %swap3A_59 = vector.shape_cast %swap3A_58 : vector<1x16xf32> to vector<16xf32>
      %swap3A_60 = vector.shape_cast %broadcast_in_dim3A_6 : vector<16xf32> to vector<1x16xf32>
      tpu.vector_store %arg6[%swap3A_56, %swap3A_57], %swap3A_60 {strides = array<i32>} : memref<128x128xf32, #tpu.memory_space<vmem>>, vector<1x16xf32>,
      %swap3A_61 = arith.index_cast %add3A_31 : i32 to index
      %swap3A_62 = arith.constant 96 : index
      %swap3A_63 = tpu.vector_load %arg6[%swap3A_61, %swap3A_62] {strides = array<i32>} : memref<128x128xf32, #tpu.memory_space<vmem>>, vector<1x16xf32>,
      %swap3A_64 = vector.shape_cast %swap3A_63 : vector<1x16xf32> to vector<16xf32>
      %swap3A_65 = vector.shape_cast %broadcast_in_dim3A_6 : vector<16xf32> to vector<1x16xf32>
      tpu.vector_store %arg6[%swap3A_61, %swap3A_62], %swap3A_65 {strides = array<i32>} : memref<128x128xf32, #tpu.memory_space<vmem>>, vector<1x16xf32>,
      %swap3A_66 = arith.index_cast %add3A_31 : i32 to index
      %swap3A_67 = arith.constant 112 : index
      %swap3A_68 = tpu.vector_load %arg6[%swap3A_66, %swap3A_67] {strides = array<i32>} : memref<128x128xf32, #tpu.memory_space<vmem>>, vector<1x16xf32>,
      %swap3A_69 = vector.shape_cast %swap3A_68 : vector<1x16xf32> to vector<16xf32>
      %swap3A_70 = vector.shape_cast %broadcast_in_dim3A_6 : vector<16xf32> to vector<1x16xf32>
      tpu.vector_store %arg6[%swap3A_66, %swap3A_67], %swap3A_70 {strides = array<i32>} : memref<128x128xf32, #tpu.memory_space<vmem>>, vector<1x16xf32>,
    }
    %scan3A_10 = arith.constant 128 : i32
    %scan3A_11 = arith.constant 0 : i32
    %scan3A_12 = arith.constant 5 : i32
    %scan3A_13 = arith.addi %scan3A_11, %scan3A_12 : i32
    %scan3A_14 = arith.constant 1 : i32
    scf.for %scan3A_27 = %scan3A_11 to %scan3A_13 step %scan3A_14  : i32 {
      %mul3A_28 = arith.constant 1 : i32
      %mul3A_29 = arith.muli %scan3A_27, %mul3A_28 : i32
      %add3A_30 = arith.constant 0 : i32
      %add3A_31 = arith.addi %add3A_30, %mul3A_29 : i32
      %mul3A_32 = arith.constant 128 : i32
      %mul3A_33 = arith.muli %add3A_31, %mul3A_32 : i32
      %add3A_34 = arith.addi %mul3A_2, %mul3A_33 : i32
      "tpu.region"() ({
        %run_scoped3A = tpu.sem_alloc : memref<!tpu.dma_semaphore, #tpu.memory_space<semaphore_mem>>
        %dma_start3A = arith.constant 0 : i32
        %dma_start3A_35 = arith.constant 0 : i32
        %dma_start3A_36 = tpu.memref_slice %arg6[%dma_start3A, %dma_start3A_35] : memref<128x128xf32, #tpu.memory_space<vmem>> -> memref<128x128xf32, #tpu.memory_space<vmem>>
        %dma_start3A_37 = arith.constant 0 : i32
        %dma_start3A_38 = tpu.memref_slice %arg7[%add3A_34, %dma_start3A_37] : memref<10240x128xf32, #tpu.memory_space<vmem_shared>> -> memref<128x128xf32, #tpu.memory_space<vmem_shared>>
        %dma_start3A_39 = arith.constant 0 : i32
        %dma_start3A_40 = tpu.memref_slice %arg7[%add3A_34, %dma_start3A_39] : memref<10240x128xf32, #tpu.memory_space<vmem_shared>> -> memref<128x128xf32, #tpu.memory_space<vmem_shared>>
        %dma_start3A_41 = arith.constant 0 : i32
        %dma_start3A_42 = arith.constant 0 : i32
        %dma_start3A_43 = tpu.memref_slice %arg6[%dma_start3A_41, %dma_start3A_42] : memref<128x128xf32, #tpu.memory_space<vmem>> -> memref<128x128xf32, #tpu.memory_space<vmem>>
        tpu.enqueue_dma source(%dma_start3A_43 : memref<128x128xf32, #tpu.memory_space<vmem>>) target(%dma_start3A_40 : memref<128x128xf32, #tpu.memory_space<vmem_shared>>) target_semaphore(%run_scoped3A : memref<!tpu.dma_semaphore, #tpu.memory_space<semaphore_mem>>)
        %dma_wait3A = arith.constant 0 : i32
        %dma_wait3A_44 = arith.constant 0 : i32
        %dma_wait3A_45 = tpu.memref_slice %arg6[%dma_wait3A, %dma_wait3A_44] : memref<128x128xf32, #tpu.memory_space<vmem>> -> memref<128x128xf32, #tpu.memory_space<vmem>>
        %dma_wait3A_46 = arith.constant 0 : i32
        %dma_wait3A_47 = tpu.memref_slice %arg7[%add3A_34, %dma_wait3A_46] : memref<10240x128xf32, #tpu.memory_space<vmem_shared>> -> memref<128x128xf32, #tpu.memory_space<vmem_shared>>
        %dma_wait3A_48 = arith.constant 0 : i32
        %dma_wait3A_49 = tpu.memref_slice %arg7[%add3A_34, %dma_wait3A_48] : memref<10240x128xf32, #tpu.memory_space<vmem_shared>> -> memref<128x128xf32, #tpu.memory_space<vmem_shared>>
        %dma_wait3A_50 = arith.constant 0 : i32
        %dma_wait3A_51 = arith.constant 0 : i32
        %dma_wait3A_52 = tpu.memref_slice %arg6[%dma_wait3A_50, %dma_wait3A_51] : memref<128x128xf32, #tpu.memory_space<vmem>> -> memref<128x128xf32, #tpu.memory_space<vmem>>
        tpu.wait_dma2 semaphore(%run_scoped3A : memref<!tpu.dma_semaphore, #tpu.memory_space<semaphore_mem>>) src(%dma_wait3A_52 : memref<128x128xf32, #tpu.memory_space<vmem>>) dst(%dma_wait3A_49 : memref<128x128xf32, #tpu.memory_space<vmem_shared>>)
        tpu.yield
      }) : () -> ()
    }
    %scan3A_15 = arith.constant 5 : i32
    %barrier3A = arith.constant 0 : index
    tpu.barrier barrier_id(%barrier3A)
    %scan3A_16 = arith.constant 0 : i32
    %scan3A_17 = arith.constant 79 : i32
    %scan3A_18 = arith.addi %scan3A_16, %scan3A_17 : i32
    %scan3A_19 = arith.constant 1 : i32
    scf.for %scan3A_27 = %scan3A_16 to %scan3A_18 step %scan3A_19  : i32 {
      %mul3A_28 = arith.constant 1 : i32
      %mul3A_29 = arith.muli %scan3A_27, %mul3A_28 : i32
      %add3A_30 = arith.constant 0 : i32
      %add3A_31 = arith.addi %add3A_30, %mul3A_29 : i32
      %mul3A_32 = arith.constant 32 : i32
      %mul3A_33 = arith.muli %add3A_31, %mul3A_32 : i32
      %add3A_34 = arith.addi %mul3A_33, %add3A : i32
      "tpu.region"() ({
        %run_scoped3A_47 = tpu.sem_alloc : memref<!tpu.dma_semaphore, #tpu.memory_space<semaphore_mem>>
        %dma_start3A_48 = arith.constant 0 : i32
        %dma_start3A_49 = arith.constant 0 : i32
        %dma_start3A_50 = tpu.memref_slice %arg3[%add3A_34, %dma_start3A_48, %dma_start3A_49] : memref<2528x2x128xi32, #tpu.memory_space<hbm>> -> memref<1x2x128xi32, #tpu.memory_space<hbm>>
        %dma_start3A_51 = tpu.memref_squeeze %dma_start3A_50 : memref<1x2x128xi32, #tpu.memory_space<hbm>> -> memref<2x128xi32, #tpu.memory_space<hbm>>
        %dma_start3A_52 = arith.constant 0 : i32
        %dma_start3A_53 = arith.constant 0 : i32
        %dma_start3A_54 = tpu.memref_slice %arg3[%add3A_34, %dma_start3A_52, %dma_start3A_53] : memref<2528x2x128xi32, #tpu.memory_space<hbm>> -> memref<1x2x128xi32, #tpu.memory_space<hbm>>
        %dma_start3A_55 = tpu.memref_squeeze %dma_start3A_54 : memref<1x2x128xi32, #tpu.memory_space<hbm>> -> memref<2x128xi32, #tpu.memory_space<hbm>>
        tpu.enqueue_dma source(%dma_start3A_55 : memref<2x128xi32, #tpu.memory_space<hbm>>) target(%arg5 : memref<2x128xi32, #tpu.memory_space<vmem>>) target_semaphore(%run_scoped3A_47 : memref<!tpu.dma_semaphore, #tpu.memory_space<semaphore_mem>>)
        %dma_wait3A_56 = arith.constant 0 : i32
        %dma_wait3A_57 = arith.constant 0 : i32
        %dma_wait3A_58 = tpu.memref_slice %arg3[%add3A_34, %dma_wait3A_56, %dma_wait3A_57] : memref<2528x2x128xi32, #tpu.memory_space<hbm>> -> memref<1x2x128xi32, #tpu.memory_space<hbm>>
        %dma_wait3A_59 = tpu.memref_squeeze %dma_wait3A_58 : memref<1x2x128xi32, #tpu.memory_space<hbm>> -> memref<2x128xi32, #tpu.memory_space<hbm>>
        %dma_wait3A_60 = arith.constant 0 : i32
        %dma_wait3A_61 = arith.constant 0 : i32
        %dma_wait3A_62 = tpu.memref_slice %arg3[%add3A_34, %dma_wait3A_60, %dma_wait3A_61] : memref<2528x2x128xi32, #tpu.memory_space<hbm>> -> memref<1x2x128xi32, #tpu.memory_space<hbm>>
        %dma_wait3A_63 = tpu.memref_squeeze %dma_wait3A_62 : memref<1x2x128xi32, #tpu.memory_space<hbm>> -> memref<2x128xi32, #tpu.memory_space<hbm>>
        tpu.wait_dma2 semaphore(%run_scoped3A_47 : memref<!tpu.dma_semaphore, #tpu.memory_space<semaphore_mem>>) src(%dma_wait3A_63 : memref<2x128xi32, #tpu.memory_space<hbm>>) dst(%arg5 : memref<2x128xi32, #tpu.memory_space<vmem>>)
        tpu.yield
      }) : () -> ()
      %dma_start3A = arith.constant 0 : i32
      %dma_start3A_35 = arith.constant 0 : i32
      %dma_start3A_36 = tpu.memref_slice %arg5[%dma_start3A, %dma_start3A_35] : memref<2x128xi32, #tpu.memory_space<vmem>> -> memref<1x128xi32, #tpu.memory_space<vmem>>
      %dma_start3A_37 = tpu.memref_squeeze %dma_start3A_36 : memref<1x128xi32, #tpu.memory_space<vmem>> -> memref<128xi32, #tpu.memory_space<vmem>>
      %dma_start3A_38 = arith.constant 0 : i32
      %dma_start3A_39 = arith.constant 0 : i32
      %dma_start3A_40 = tpu.memref_slice %arg2[%dma_start3A_38, %dma_start3A_39] : memref<10000x128xf32, #tpu.memory_space<hbm>> -> memref<10000x128xf32, #tpu.memory_space<hbm>>
      tpu.enqueue_indirect_dma source(%dma_start3A_40 : memref<10000x128xf32, #tpu.memory_space<hbm>>) target(%arg6 : memref<128x128xf32, #tpu.memory_space<vmem>>) offsets(%dma_start3A_37 : memref<128xi32, #tpu.memory_space<vmem>>) semaphore(%arg8 : memref<!tpu.dma_semaphore, #tpu.memory_space<semaphore_mem>>)
      %dma_wait3A = arith.constant 0 : i32
      %dma_wait3A_41 = arith.constant 0 : i32
      %dma_wait3A_42 = tpu.memref_slice %arg5[%dma_wait3A, %dma_wait3A_41] : memref<2x128xi32, #tpu.memory_space<vmem>> -> memref<1x128xi32, #tpu.memory_space<vmem>>
      %dma_wait3A_43 = tpu.memref_squeeze %dma_wait3A_42 : memref<1x128xi32, #tpu.memory_space<vmem>> -> memref<128xi32, #tpu.memory_space<vmem>>
      %dma_wait3A_44 = arith.constant 0 : i32
      %dma_wait3A_45 = arith.constant 0 : i32
      %dma_wait3A_46 = tpu.memref_slice %arg2[%dma_wait3A_44, %dma_wait3A_45] : memref<10000x128xf32, #tpu.memory_space<hbm>> -> memref<10000x128xf32, #tpu.memory_space<hbm>>
      tpu.wait_indirect_dma semaphore(%arg8 : memref<!tpu.dma_semaphore, #tpu.memory_space<semaphore_mem>>) src(%dma_wait3A_46 : memref<10000x128xf32, #tpu.memory_space<hbm>>) dst(%arg6 : memref<128x128xf32, #tpu.memory_space<vmem>>)
      %run_scoped3A = arith.constant 1 : i32
      "tpu.region"() ({
        %run_scoped3A_47 = tpu.sem_alloc : memref<!tpu.dma_semaphore, #tpu.memory_space<semaphore_mem>>
        %dma_start3A_48 = arith.constant 0 : i32
        %dma_start3A_49 = tpu.memref_slice %arg5[%run_scoped3A, %dma_start3A_48] : memref<2x128xi32, #tpu.memory_space<vmem>> -> memref<1x128xi32, #tpu.memory_space<vmem>>
        %dma_start3A_50 = tpu.memref_squeeze %dma_start3A_49 : memref<1x128xi32, #tpu.memory_space<vmem>> -> memref<128xi32, #tpu.memory_space<vmem>>
        %dma_start3A_51 = arith.constant 0 : i32
        %dma_start3A_52 = arith.constant 0 : i32
        %dma_start3A_53 = tpu.memref_slice %arg7[%dma_start3A_51, %dma_start3A_52] : memref<10240x128xf32, #tpu.memory_space<vmem_shared>> -> memref<10240x128xf32, #tpu.memory_space<vmem_shared>>
        tpu.enqueue_indirect_dma source(%arg6 : memref<128x128xf32, #tpu.memory_space<vmem>>) target(%dma_start3A_53 : memref<10240x128xf32, #tpu.memory_space<vmem_shared>>) offsets(%dma_start3A_50 : memref<128xi32, #tpu.memory_space<vmem>>) semaphore(%run_scoped3A_47 : memref<!tpu.dma_semaphore, #tpu.memory_space<semaphore_mem>>) {add = true}
        %dma_wait3A_54 = arith.constant 0 : i32
        %dma_wait3A_55 = tpu.memref_slice %arg5[%run_scoped3A, %dma_wait3A_54] : memref<2x128xi32, #tpu.memory_space<vmem>> -> memref<1x128xi32, #tpu.memory_space<vmem>>
        %dma_wait3A_56 = tpu.memref_squeeze %dma_wait3A_55 : memref<1x128xi32, #tpu.memory_space<vmem>> -> memref<128xi32, #tpu.memory_space<vmem>>
        %dma_wait3A_57 = arith.constant 0 : i32
        %dma_wait3A_58 = arith.constant 0 : i32
        %dma_wait3A_59 = tpu.memref_slice %arg7[%dma_wait3A_57, %dma_wait3A_58] : memref<10240x128xf32, #tpu.memory_space<vmem_shared>> -> memref<10240x128xf32, #tpu.memory_space<vmem_shared>>
        tpu.wait_indirect_dma semaphore(%run_scoped3A_47 : memref<!tpu.dma_semaphore, #tpu.memory_space<semaphore_mem>>) src(%arg6 : memref<128x128xf32, #tpu.memory_space<vmem>>) dst(%dma_wait3A_59 : memref<10240x128xf32, #tpu.memory_space<vmem_shared>>)
        tpu.yield
      }) : () -> ()
    }
    %scan3A_20 = arith.constant 79 : i32
    %barrier3A_21 = arith.constant 0 : index
    tpu.barrier barrier_id(%barrier3A_21)
    %scan3A_22 = arith.constant 0 : i32
    %scan3A_23 = arith.constant 5 : i32
    %scan3A_24 = arith.addi %scan3A_22, %scan3A_23 : i32
    %scan3A_25 = arith.constant 1 : i32
    scf.for %scan3A_27 = %scan3A_22 to %scan3A_24 step %scan3A_25  : i32 {
      %mul3A_28 = arith.constant 1 : i32
      %mul3A_29 = arith.muli %scan3A_27, %mul3A_28 : i32
      %add3A_30 = arith.constant 0 : i32
      %add3A_31 = arith.addi %add3A_30, %mul3A_29 : i32
      %mul3A_32 = arith.constant 128 : i32
      %mul3A_33 = arith.muli %add3A_31, %mul3A_32 : i32
      %add3A_34 = arith.addi %mul3A_2, %mul3A_33 : i32
      "tpu.region"() ({
        %run_scoped3A = tpu.sem_alloc : memref<!tpu.dma_semaphore, #tpu.memory_space<semaphore_mem>>
        %dma_start3A = arith.constant 0 : i32
        %dma_start3A_38 = arith.constant 0 : i32
        %dma_start3A_39 = tpu.memref_slice %arg6[%dma_start3A, %dma_start3A_38] : memref<128x128xf32, #tpu.memory_space<vmem>> -> memref<128x128xf32, #tpu.memory_space<vmem>>
        %dma_start3A_40 = arith.constant 0 : i32
        %dma_start3A_41 = tpu.memref_slice %arg7[%add3A_34, %dma_start3A_40] : memref<10240x128xf32, #tpu.memory_space<vmem_shared>> -> memref<128x128xf32, #tpu.memory_space<vmem_shared>>
        %dma_start3A_42 = arith.constant 0 : i32
        %dma_start3A_43 = arith.constant 0 : i32
        %dma_start3A_44 = tpu.memref_slice %arg6[%dma_start3A_42, %dma_start3A_43] : memref<128x128xf32, #tpu.memory_space<vmem>> -> memref<128x128xf32, #tpu.memory_space<vmem>>
        %dma_start3A_45 = arith.constant 0 : i32
        %dma_start3A_46 = tpu.memref_slice %arg7[%add3A_34, %dma_start3A_45] : memref<10240x128xf32, #tpu.memory_space<vmem_shared>> -> memref<128x128xf32, #tpu.memory_space<vmem_shared>>
        tpu.enqueue_dma source(%dma_start3A_46 : memref<128x128xf32, #tpu.memory_space<vmem_shared>>) target(%dma_start3A_44 : memref<128x128xf32, #tpu.memory_space<vmem>>) target_semaphore(%run_scoped3A : memref<!tpu.dma_semaphore, #tpu.memory_space<semaphore_mem>>)
        %dma_wait3A = arith.constant 0 : i32
        %dma_wait3A_47 = arith.constant 0 : i32
        %dma_wait3A_48 = tpu.memref_slice %arg6[%dma_wait3A, %dma_wait3A_47] : memref<128x128xf32, #tpu.memory_space<vmem>> -> memref<128x128xf32, #tpu.memory_space<vmem>>
        %dma_wait3A_49 = arith.constant 0 : i32
        %dma_wait3A_50 = tpu.memref_slice %arg7[%add3A_34, %dma_wait3A_49] : memref<10240x128xf32, #tpu.memory_space<vmem_shared>> -> memref<128x128xf32, #tpu.memory_space<vmem_shared>>
        %dma_wait3A_51 = arith.constant 0 : i32
        %dma_wait3A_52 = arith.constant 0 : i32
        %dma_wait3A_53 = tpu.memref_slice %arg6[%dma_wait3A_51, %dma_wait3A_52] : memref<128x128xf32, #tpu.memory_space<vmem>> -> memref<128x128xf32, #tpu.memory_space<vmem>>
        %dma_wait3A_54 = arith.constant 0 : i32
        %dma_wait3A_55 = tpu.memref_slice %arg7[%add3A_34, %dma_wait3A_54] : memref<10240x128xf32, #tpu.memory_space<vmem_shared>> -> memref<128x128xf32, #tpu.memory_space<vmem_shared>>
        tpu.wait_dma2 semaphore(%run_scoped3A : memref<!tpu.dma_semaphore, #tpu.memory_space<semaphore_mem>>) src(%dma_wait3A_55 : memref<128x128xf32, #tpu.memory_space<vmem_shared>>) dst(%dma_wait3A_53 : memref<128x128xf32, #tpu.memory_space<vmem>>)
        tpu.yield
      }) : () -> ()
      %mul3A_35 = arith.constant 128 : i32
      %mul3A_36 = arith.muli %add3A_31, %mul3A_35 : i32
      %add3A_37 = arith.addi %add3A_5, %mul3A_36 : i32
      "tpu.region"() ({
        %run_scoped3A = tpu.sem_alloc : memref<!tpu.dma_semaphore, #tpu.memory_space<semaphore_mem>>
        %dma_start3A = arith.constant 0 : i32
        %dma_start3A_38 = arith.constant 0 : i32
        %dma_start3A_39 = tpu.memref_slice %arg6[%dma_start3A, %dma_start3A_38] : memref<128x128xf32, #tpu.memory_space<vmem>> -> memref<128x128xf32, #tpu.memory_space<vmem>>
        %dma_start3A_40 = arith.constant 0 : i32
        %dma_start3A_41 = tpu.memref_slice %arg4[%add3A_37, %dma_start3A_40] : memref<20480x128xf32, #tpu.memory_space<hbm>> -> memref<128x128xf32, #tpu.memory_space<hbm>>
        %dma_start3A_42 = arith.constant 0 : i32
        %dma_start3A_43 = tpu.memref_slice %arg4[%add3A_37, %dma_start3A_42] : memref<20480x128xf32, #tpu.memory_space<hbm>> -> memref<128x128xf32, #tpu.memory_space<hbm>>
        %dma_start3A_44 = arith.constant 0 : i32
        %dma_start3A_45 = arith.constant 0 : i32
        %dma_start3A_46 = tpu.memref_slice %arg6[%dma_start3A_44, %dma_start3A_45] : memref<128x128xf32, #tpu.memory_space<vmem>> -> memref<128x128xf32, #tpu.memory_space<vmem>>
        tpu.enqueue_dma source(%dma_start3A_46 : memref<128x128xf32, #tpu.memory_space<vmem>>) target(%dma_start3A_43 : memref<128x128xf32, #tpu.memory_space<hbm>>) target_semaphore(%run_scoped3A : memref<!tpu.dma_semaphore, #tpu.memory_space<semaphore_mem>>)
        %dma_wait3A = arith.constant 0 : i32
        %dma_wait3A_47 = arith.constant 0 : i32
        %dma_wait3A_48 = tpu.memref_slice %arg6[%dma_wait3A, %dma_wait3A_47] : memref<128x128xf32, #tpu.memory_space<vmem>> -> memref<128x128xf32, #tpu.memory_space<vmem>>
        %dma_wait3A_49 = arith.constant 0 : i32
        %dma_wait3A_50 = tpu.memref_slice %arg4[%add3A_37, %dma_wait3A_49] : memref<20480x128xf32, #tpu.memory_space<hbm>> -> memref<128x128xf32, #tpu.memory_space<hbm>>
        %dma_wait3A_51 = arith.constant 0 : i32
        %dma_wait3A_52 = tpu.memref_slice %arg4[%add3A_37, %dma_wait3A_51] : memref<20480x128xf32, #tpu.memory_space<hbm>> -> memref<128x128xf32, #tpu.memory_space<hbm>>
        %dma_wait3A_53 = arith.constant 0 : i32
        %dma_wait3A_54 = arith.constant 0 : i32
        %dma_wait3A_55 = tpu.memref_slice %arg6[%dma_wait3A_53, %dma_wait3A_54] : memref<128x128xf32, #tpu.memory_space<vmem>> -> memref<128x128xf32, #tpu.memory_space<vmem>>
        tpu.wait_dma2 semaphore(%run_scoped3A : memref<!tpu.dma_semaphore, #tpu.memory_space<semaphore_mem>>) src(%dma_wait3A_55 : memref<128x128xf32, #tpu.memory_space<vmem>>) dst(%dma_wait3A_52 : memref<128x128xf32, #tpu.memory_space<hbm>>)
        tpu.yield
      }) : () -> ()
    }
    %scan3A_26 = arith.constant 5 : i32
    return
  }
}

#map = affine_map<(d0, d1) -> (0)>
#map1 = affine_map<(d0, d1) -> (0, 0)>
module attributes {stable_mosaic.version = 14 : i64} {
  func.func @body(%arg0: i32, %arg1: i32, %arg2: memref<323584xi32, #tpu.memory_space<hbm>>, %arg3: memref<20480x16xf32, #tpu.memory_space<hbm>>, %arg4: memref<128xi32, #tpu.memory_space<vmem>>, %arg5: memref<128x16xf32, #tpu.memory_space<vmem>>, %arg6: memref<10240x16xf32, #tpu.memory_space<vmem_shared>>) attributes {dimension_semantics = [#tpu.dimension_semantics<core_parallel>, #tpu.dimension_semantics<subcore_parallel>], iteration_bounds = array<i64: 2, 16>, scalar_prefetch = 0 : i64, scratch_operands = 3 : i64, tpu.core_type = #tpu.core_type<sc_vector_subcore>, window_params = [{transform_indices = #map}, {transform_indices = #map1}]} {
    %mul3A = arith.constant 2 : i32
    %mul3A_0 = arith.muli %arg1, %mul3A : i32
    %add3A = arith.addi %mul3A_0, %arg0 : i32
    %mul3A_1 = arith.constant 640 : i32
    %mul3A_2 = arith.muli %arg1, %mul3A_1 : i32
    %mul3A_3 = arith.constant 10240 : i32
    %mul3A_4 = arith.muli %arg0, %mul3A_3 : i32
    %add3A_5 = arith.addi %mul3A_4, %mul3A_2 : i32
    %broadcast_in_dim3A = arith.constant 0.000000e+00 : f32
    %broadcast_in_dim3A_6 = vector.broadcast %broadcast_in_dim3A : f32 to vector<16xf32>
    %broadcast_in_dim3A_7 = arith.constant 1.000000e+00 : f32
    %broadcast_in_dim3A_8 = vector.broadcast %broadcast_in_dim3A_7 : f32 to vector<16xf32>
    %scan3A = arith.constant 0 : i32
    %scan3A_9 = arith.constant 128 : i32
    %scan3A_10 = arith.addi %scan3A, %scan3A_9 : i32
    %scan3A_11 = arith.constant 1 : i32
    scf.for %scan3A_34 = %scan3A to %scan3A_10 step %scan3A_11  : i32 {
      %mul3A_35 = arith.constant 1 : i32
      %mul3A_36 = arith.muli %scan3A_34, %mul3A_35 : i32
      %add3A_37 = arith.constant 0 : i32
      %add3A_38 = arith.addi %add3A_37, %mul3A_36 : i32
      %swap3A = arith.index_cast %add3A_38 : i32 to index
      %swap3A_39 = arith.constant 0 : index
      %swap3A_40 = tpu.vector_load %arg5[%swap3A, %swap3A_39] {strides = array<i32>} : memref<128x16xf32, #tpu.memory_space<vmem>>, vector<1x16xf32>,
      %swap3A_41 = vector.shape_cast %swap3A_40 : vector<1x16xf32> to vector<16xf32>
      %swap3A_42 = vector.shape_cast %broadcast_in_dim3A_6 : vector<16xf32> to vector<1x16xf32>
      tpu.vector_store %arg5[%swap3A, %swap3A_39], %swap3A_42 {strides = array<i32>} : memref<128x16xf32, #tpu.memory_space<vmem>>, vector<1x16xf32>,
    }
    %scan3A_12 = arith.constant 128 : i32
    %scan3A_13 = arith.constant 0 : i32
    %scan3A_14 = arith.constant 5 : i32
    %scan3A_15 = arith.addi %scan3A_13, %scan3A_14 : i32
    %scan3A_16 = arith.constant 1 : i32
    scf.for %scan3A_34 = %scan3A_13 to %scan3A_15 step %scan3A_16  : i32 {
      %mul3A_35 = arith.constant 1 : i32
      %mul3A_36 = arith.muli %scan3A_34, %mul3A_35 : i32
      %add3A_37 = arith.constant 0 : i32
      %add3A_38 = arith.addi %add3A_37, %mul3A_36 : i32
      %mul3A_39 = arith.constant 128 : i32
      %mul3A_40 = arith.muli %add3A_38, %mul3A_39 : i32
      %add3A_41 = arith.addi %mul3A_2, %mul3A_40 : i32
      "tpu.region"() ({
        %run_scoped3A = tpu.sem_alloc : memref<!tpu.dma_semaphore, #tpu.memory_space<semaphore_mem>>
        %dma_start3A = arith.constant 0 : i32
        %dma_start3A_42 = arith.constant 0 : i32
        %dma_start3A_43 = tpu.memref_slice %arg5[%dma_start3A, %dma_start3A_42] : memref<128x16xf32, #tpu.memory_space<vmem>> -> memref<128x16xf32, #tpu.memory_space<vmem>>
        %dma_start3A_44 = arith.constant 0 : i32
        %dma_start3A_45 = tpu.memref_slice %arg6[%add3A_41, %dma_start3A_44] : memref<10240x16xf32, #tpu.memory_space<vmem_shared>> -> memref<128x16xf32, #tpu.memory_space<vmem_shared>>
        %dma_start3A_46 = arith.constant 0 : i32
        %dma_start3A_47 = tpu.memref_slice %arg6[%add3A_41, %dma_start3A_46] : memref<10240x16xf32, #tpu.memory_space<vmem_shared>> -> memref<128x16xf32, #tpu.memory_space<vmem_shared>>
        %dma_start3A_48 = arith.constant 0 : i32
        %dma_start3A_49 = arith.constant 0 : i32
        %dma_start3A_50 = tpu.memref_slice %arg5[%dma_start3A_48, %dma_start3A_49] : memref<128x16xf32, #tpu.memory_space<vmem>> -> memref<128x16xf32, #tpu.memory_space<vmem>>
        tpu.enqueue_dma source(%dma_start3A_50 : memref<128x16xf32, #tpu.memory_space<vmem>>) target(%dma_start3A_47 : memref<128x16xf32, #tpu.memory_space<vmem_shared>>) target_semaphore(%run_scoped3A : memref<!tpu.dma_semaphore, #tpu.memory_space<semaphore_mem>>)
        %dma_wait3A = arith.constant 0 : i32
        %dma_wait3A_51 = arith.constant 0 : i32
        %dma_wait3A_52 = tpu.memref_slice %arg5[%dma_wait3A, %dma_wait3A_51] : memref<128x16xf32, #tpu.memory_space<vmem>> -> memref<128x16xf32, #tpu.memory_space<vmem>>
        %dma_wait3A_53 = arith.constant 0 : i32
        %dma_wait3A_54 = tpu.memref_slice %arg6[%add3A_41, %dma_wait3A_53] : memref<10240x16xf32, #tpu.memory_space<vmem_shared>> -> memref<128x16xf32, #tpu.memory_space<vmem_shared>>
        %dma_wait3A_55 = arith.constant 0 : i32
        %dma_wait3A_56 = tpu.memref_slice %arg6[%add3A_41, %dma_wait3A_55] : memref<10240x16xf32, #tpu.memory_space<vmem_shared>> -> memref<128x16xf32, #tpu.memory_space<vmem_shared>>
        %dma_wait3A_57 = arith.constant 0 : i32
        %dma_wait3A_58 = arith.constant 0 : i32
        %dma_wait3A_59 = tpu.memref_slice %arg5[%dma_wait3A_57, %dma_wait3A_58] : memref<128x16xf32, #tpu.memory_space<vmem>> -> memref<128x16xf32, #tpu.memory_space<vmem>>
        tpu.wait_dma2 semaphore(%run_scoped3A : memref<!tpu.dma_semaphore, #tpu.memory_space<semaphore_mem>>) src(%dma_wait3A_59 : memref<128x16xf32, #tpu.memory_space<vmem>>) dst(%dma_wait3A_56 : memref<128x16xf32, #tpu.memory_space<vmem_shared>>)
        tpu.yield
      }) : () -> ()
    }
    %scan3A_17 = arith.constant 5 : i32
    %scan3A_18 = arith.constant 0 : i32
    %scan3A_19 = arith.constant 128 : i32
    %scan3A_20 = arith.addi %scan3A_18, %scan3A_19 : i32
    %scan3A_21 = arith.constant 1 : i32
    scf.for %scan3A_34 = %scan3A_18 to %scan3A_20 step %scan3A_21  : i32 {
      %mul3A_35 = arith.constant 1 : i32
      %mul3A_36 = arith.muli %scan3A_34, %mul3A_35 : i32
      %add3A_37 = arith.constant 0 : i32
      %add3A_38 = arith.addi %add3A_37, %mul3A_36 : i32
      %swap3A = arith.index_cast %add3A_38 : i32 to index
      %swap3A_39 = arith.constant 0 : index
      %swap3A_40 = tpu.vector_load %arg5[%swap3A, %swap3A_39] {strides = array<i32>} : memref<128x16xf32, #tpu.memory_space<vmem>>, vector<1x16xf32>,
      %swap3A_41 = vector.shape_cast %swap3A_40 : vector<1x16xf32> to vector<16xf32>
      %swap3A_42 = vector.shape_cast %broadcast_in_dim3A_8 : vector<16xf32> to vector<1x16xf32>
      tpu.vector_store %arg5[%swap3A, %swap3A_39], %swap3A_42 {strides = array<i32>} : memref<128x16xf32, #tpu.memory_space<vmem>>, vector<1x16xf32>,
    }
    %scan3A_22 = arith.constant 128 : i32
    %barrier3A = arith.constant 0 : index
    tpu.barrier barrier_id(%barrier3A)
    %scan3A_23 = arith.constant 0 : i32
    %scan3A_24 = arith.constant 79 : i32
    %scan3A_25 = arith.addi %scan3A_23, %scan3A_24 : i32
    %scan3A_26 = arith.constant 1 : i32
    scf.for %scan3A_34 = %scan3A_23 to %scan3A_25 step %scan3A_26  : i32 {
      %mul3A_35 = arith.constant 1 : i32
      %mul3A_36 = arith.muli %scan3A_34, %mul3A_35 : i32
      %add3A_37 = arith.constant 0 : i32
      %add3A_38 = arith.addi %add3A_37, %mul3A_36 : i32
      %mul3A_39 = arith.constant 32 : i32
      %mul3A_40 = arith.muli %add3A_38, %mul3A_39 : i32
      %add3A_41 = arith.addi %mul3A_40, %add3A : i32
      %mul3A_42 = arith.constant 128 : i32
      %mul3A_43 = arith.muli %add3A_41, %mul3A_42 : i32
      "tpu.region"() ({
        %run_scoped3A = tpu.sem_alloc : memref<!tpu.dma_semaphore, #tpu.memory_space<semaphore_mem>>
        %dma_start3A = tpu.memref_slice %arg2[%mul3A_43] : memref<323584xi32, #tpu.memory_space<hbm>> -> memref<128xi32, #tpu.memory_space<hbm>>
        %dma_start3A_44 = tpu.memref_slice %arg2[%mul3A_43] : memref<323584xi32, #tpu.memory_space<hbm>> -> memref<128xi32, #tpu.memory_space<hbm>>
        tpu.enqueue_dma source(%dma_start3A_44 : memref<128xi32, #tpu.memory_space<hbm>>) target(%arg4 : memref<128xi32, #tpu.memory_space<vmem>>) target_semaphore(%run_scoped3A : memref<!tpu.dma_semaphore, #tpu.memory_space<semaphore_mem>>)
        %dma_wait3A = tpu.memref_slice %arg2[%mul3A_43] : memref<323584xi32, #tpu.memory_space<hbm>> -> memref<128xi32, #tpu.memory_space<hbm>>
        %dma_wait3A_45 = tpu.memref_slice %arg2[%mul3A_43] : memref<323584xi32, #tpu.memory_space<hbm>> -> memref<128xi32, #tpu.memory_space<hbm>>
        tpu.wait_dma2 semaphore(%run_scoped3A : memref<!tpu.dma_semaphore, #tpu.memory_space<semaphore_mem>>) src(%dma_wait3A_45 : memref<128xi32, #tpu.memory_space<hbm>>) dst(%arg4 : memref<128xi32, #tpu.memory_space<vmem>>)
        tpu.yield
      }) : () -> ()
      "tpu.region"() ({
        %run_scoped3A = tpu.sem_alloc : memref<!tpu.dma_semaphore, #tpu.memory_space<semaphore_mem>>
        %dma_start3A = arith.constant 0 : i32
        %dma_start3A_44 = arith.constant 0 : i32
        %dma_start3A_45 = tpu.memref_slice %arg6[%dma_start3A, %dma_start3A_44] : memref<10240x16xf32, #tpu.memory_space<vmem_shared>> -> memref<10240x16xf32, #tpu.memory_space<vmem_shared>>
        tpu.enqueue_indirect_dma source(%arg5 : memref<128x16xf32, #tpu.memory_space<vmem>>) target(%dma_start3A_45 : memref<10240x16xf32, #tpu.memory_space<vmem_shared>>) offsets(%arg4 : memref<128xi32, #tpu.memory_space<vmem>>) semaphore(%run_scoped3A : memref<!tpu.dma_semaphore, #tpu.memory_space<semaphore_mem>>) {add = true}
        %dma_wait3A = arith.constant 0 : i32
        %dma_wait3A_46 = arith.constant 0 : i32
        %dma_wait3A_47 = tpu.memref_slice %arg6[%dma_wait3A, %dma_wait3A_46] : memref<10240x16xf32, #tpu.memory_space<vmem_shared>> -> memref<10240x16xf32, #tpu.memory_space<vmem_shared>>
        tpu.wait_indirect_dma semaphore(%run_scoped3A : memref<!tpu.dma_semaphore, #tpu.memory_space<semaphore_mem>>) src(%arg5 : memref<128x16xf32, #tpu.memory_space<vmem>>) dst(%dma_wait3A_47 : memref<10240x16xf32, #tpu.memory_space<vmem_shared>>)
        tpu.yield
      }) : () -> ()
    }
    %scan3A_27 = arith.constant 79 : i32
    %barrier3A_28 = arith.constant 0 : index
    tpu.barrier barrier_id(%barrier3A_28)
    %scan3A_29 = arith.constant 0 : i32
    %scan3A_30 = arith.constant 5 : i32
    %scan3A_31 = arith.addi %scan3A_29, %scan3A_30 : i32
    %scan3A_32 = arith.constant 1 : i32
    scf.for %scan3A_34 = %scan3A_29 to %scan3A_31 step %scan3A_32  : i32 {
      %mul3A_35 = arith.constant 1 : i32
      %mul3A_36 = arith.muli %scan3A_34, %mul3A_35 : i32
      %add3A_37 = arith.constant 0 : i32
      %add3A_38 = arith.addi %add3A_37, %mul3A_36 : i32
      %mul3A_39 = arith.constant 128 : i32
      %mul3A_40 = arith.muli %add3A_38, %mul3A_39 : i32
      %add3A_41 = arith.addi %mul3A_2, %mul3A_40 : i32
      "tpu.region"() ({
        %run_scoped3A = tpu.sem_alloc : memref<!tpu.dma_semaphore, #tpu.memory_space<semaphore_mem>>
        %dma_start3A = arith.constant 0 : i32
        %dma_start3A_45 = arith.constant 0 : i32
        %dma_start3A_46 = tpu.memref_slice %arg5[%dma_start3A, %dma_start3A_45] : memref<128x16xf32, #tpu.memory_space<vmem>> -> memref<128x16xf32, #tpu.memory_space<vmem>>
        %dma_start3A_47 = arith.constant 0 : i32
        %dma_start3A_48 = tpu.memref_slice %arg6[%add3A_41, %dma_start3A_47] : memref<10240x16xf32, #tpu.memory_space<vmem_shared>> -> memref<128x16xf32, #tpu.memory_space<vmem_shared>>
        %dma_start3A_49 = arith.constant 0 : i32
        %dma_start3A_50 = arith.constant 0 : i32
        %dma_start3A_51 = tpu.memref_slice %arg5[%dma_start3A_49, %dma_start3A_50] : memref<128x16xf32, #tpu.memory_space<vmem>> -> memref<128x16xf32, #tpu.memory_space<vmem>>
        %dma_start3A_52 = arith.constant 0 : i32
        %dma_start3A_53 = tpu.memref_slice %arg6[%add3A_41, %dma_start3A_52] : memref<10240x16xf32, #tpu.memory_space<vmem_shared>> -> memref<128x16xf32, #tpu.memory_space<vmem_shared>>
        tpu.enqueue_dma source(%dma_start3A_53 : memref<128x16xf32, #tpu.memory_space<vmem_shared>>) target(%dma_start3A_51 : memref<128x16xf32, #tpu.memory_space<vmem>>) target_semaphore(%run_scoped3A : memref<!tpu.dma_semaphore, #tpu.memory_space<semaphore_mem>>)
        %dma_wait3A = arith.constant 0 : i32
        %dma_wait3A_54 = arith.constant 0 : i32
        %dma_wait3A_55 = tpu.memref_slice %arg5[%dma_wait3A, %dma_wait3A_54] : memref<128x16xf32, #tpu.memory_space<vmem>> -> memref<128x16xf32, #tpu.memory_space<vmem>>
        %dma_wait3A_56 = arith.constant 0 : i32
        %dma_wait3A_57 = tpu.memref_slice %arg6[%add3A_41, %dma_wait3A_56] : memref<10240x16xf32, #tpu.memory_space<vmem_shared>> -> memref<128x16xf32, #tpu.memory_space<vmem_shared>>
        %dma_wait3A_58 = arith.constant 0 : i32
        %dma_wait3A_59 = arith.constant 0 : i32
        %dma_wait3A_60 = tpu.memref_slice %arg5[%dma_wait3A_58, %dma_wait3A_59] : memref<128x16xf32, #tpu.memory_space<vmem>> -> memref<128x16xf32, #tpu.memory_space<vmem>>
        %dma_wait3A_61 = arith.constant 0 : i32
        %dma_wait3A_62 = tpu.memref_slice %arg6[%add3A_41, %dma_wait3A_61] : memref<10240x16xf32, #tpu.memory_space<vmem_shared>> -> memref<128x16xf32, #tpu.memory_space<vmem_shared>>
        tpu.wait_dma2 semaphore(%run_scoped3A : memref<!tpu.dma_semaphore, #tpu.memory_space<semaphore_mem>>) src(%dma_wait3A_62 : memref<128x16xf32, #tpu.memory_space<vmem_shared>>) dst(%dma_wait3A_60 : memref<128x16xf32, #tpu.memory_space<vmem>>)
        tpu.yield
      }) : () -> ()
      %mul3A_42 = arith.constant 128 : i32
      %mul3A_43 = arith.muli %add3A_38, %mul3A_42 : i32
      %add3A_44 = arith.addi %add3A_5, %mul3A_43 : i32
      "tpu.region"() ({
        %run_scoped3A = tpu.sem_alloc : memref<!tpu.dma_semaphore, #tpu.memory_space<semaphore_mem>>
        %dma_start3A = arith.constant 0 : i32
        %dma_start3A_45 = arith.constant 0 : i32
        %dma_start3A_46 = tpu.memref_slice %arg5[%dma_start3A, %dma_start3A_45] : memref<128x16xf32, #tpu.memory_space<vmem>> -> memref<128x16xf32, #tpu.memory_space<vmem>>
        %dma_start3A_47 = arith.constant 0 : i32
        %dma_start3A_48 = tpu.memref_slice %arg3[%add3A_44, %dma_start3A_47] : memref<20480x16xf32, #tpu.memory_space<hbm>> -> memref<128x16xf32, #tpu.memory_space<hbm>>
        %dma_start3A_49 = arith.constant 0 : i32
        %dma_start3A_50 = tpu.memref_slice %arg3[%add3A_44, %dma_start3A_49] : memref<20480x16xf32, #tpu.memory_space<hbm>> -> memref<128x16xf32, #tpu.memory_space<hbm>>
        %dma_start3A_51 = arith.constant 0 : i32
        %dma_start3A_52 = arith.constant 0 : i32
        %dma_start3A_53 = tpu.memref_slice %arg5[%dma_start3A_51, %dma_start3A_52] : memref<128x16xf32, #tpu.memory_space<vmem>> -> memref<128x16xf32, #tpu.memory_space<vmem>>
        tpu.enqueue_dma source(%dma_start3A_53 : memref<128x16xf32, #tpu.memory_space<vmem>>) target(%dma_start3A_50 : memref<128x16xf32, #tpu.memory_space<hbm>>) target_semaphore(%run_scoped3A : memref<!tpu.dma_semaphore, #tpu.memory_space<semaphore_mem>>)
        %dma_wait3A = arith.constant 0 : i32
        %dma_wait3A_54 = arith.constant 0 : i32
        %dma_wait3A_55 = tpu.memref_slice %arg5[%dma_wait3A, %dma_wait3A_54] : memref<128x16xf32, #tpu.memory_space<vmem>> -> memref<128x16xf32, #tpu.memory_space<vmem>>
        %dma_wait3A_56 = arith.constant 0 : i32
        %dma_wait3A_57 = tpu.memref_slice %arg3[%add3A_44, %dma_wait3A_56] : memref<20480x16xf32, #tpu.memory_space<hbm>> -> memref<128x16xf32, #tpu.memory_space<hbm>>
        %dma_wait3A_58 = arith.constant 0 : i32
        %dma_wait3A_59 = tpu.memref_slice %arg3[%add3A_44, %dma_wait3A_58] : memref<20480x16xf32, #tpu.memory_space<hbm>> -> memref<128x16xf32, #tpu.memory_space<hbm>>
        %dma_wait3A_60 = arith.constant 0 : i32
        %dma_wait3A_61 = arith.constant 0 : i32
        %dma_wait3A_62 = tpu.memref_slice %arg5[%dma_wait3A_60, %dma_wait3A_61] : memref<128x16xf32, #tpu.memory_space<vmem>> -> memref<128x16xf32, #tpu.memory_space<vmem>>
        tpu.wait_dma2 semaphore(%run_scoped3A : memref<!tpu.dma_semaphore, #tpu.memory_space<semaphore_mem>>) src(%dma_wait3A_62 : memref<128x16xf32, #tpu.memory_space<vmem>>) dst(%dma_wait3A_59 : memref<128x16xf32, #tpu.memory_space<hbm>>)
        tpu.yield
      }) : () -> ()
    }
    %scan3A_33 = arith.constant 5 : i32
    return
  }
}

module attributes {stable_mosaic.version = 14 : i64} {
  func.func @_dst_eff_body(%arg0: memref<2x2528x128xi32, #tpu.memory_space<vmem>>, %arg1: memref<2528x128xi32, #tpu.memory_space<vmem>>) attributes {dimension_semantics = [], scalar_prefetch = 0 : i64, scratch_operands = 0 : i64, tpu.core_type = #tpu.core_type<tc>} {
    %get3A = arith.constant 0 : index
    %get3A_0 = arith.constant 0 : index
    %get3A_1 = arith.constant 0 : index
    %get3A_2 = vector.load %arg0[%get3A, %get3A_0, %get3A_1] : memref<2x2528x128xi32, #tpu.memory_space<vmem>>, vector<1x2528x128xi32>
    %get3A_3 = vector.shape_cast %get3A_2 : vector<1x2528x128xi32> to vector<2528x128xi32>
    %get3A_4 = arith.constant 1 : index
    %get3A_5 = arith.constant 0 : index
    %get3A_6 = arith.constant 0 : index
    %get3A_7 = vector.load %arg0[%get3A_4, %get3A_5, %get3A_6] : memref<2x2528x128xi32, #tpu.memory_space<vmem>>, vector<1x2528x128xi32>
    %get3A_8 = vector.shape_cast %get3A_7 : vector<1x2528x128xi32> to vector<2528x128xi32>
    %eq3A = arith.cmpi eq, %get3A_3, %get3A_8 : vector<2528x128xi32>
    %jit3A = arith.constant 10000 : i32
    %broadcast_in_dim3A = vector.broadcast %jit3A : i32 to vector<2528x128xi32>
    %select_n3A = arith.select %eq3A, %broadcast_in_dim3A, %get3A_8 : vector<2528x128xi1>, vector<2528x128xi32>
    %swap3A = arith.constant 0 : index
    %swap3A_9 = arith.constant 0 : index
    %swap3A_10 = vector.load %arg1[%swap3A, %swap3A_9] : memref<2528x128xi32, #tpu.memory_space<vmem>>, vector<2528x128xi32>
    tpu.vector_store %arg1[%swap3A, %swap3A_9], %select_n3A {strides = array<i32>} : memref<2528x128xi32, #tpu.memory_space<vmem>>, vector<2528x128xi32>,
    return
  }
}

module attributes {stable_mosaic.version = 14 : i64} {
  func.func @_layer1_body(%arg0: i32, %arg1: memref<1000x128xf32, #tpu.memory_space<vmem>>, %arg2: memref<2x1000x128xf32, #tpu.memory_space<vmem>>, %arg3: memref<2x1000x16xf32, #tpu.memory_space<vmem>>, %arg4: memref<256x128xf32, #tpu.memory_space<vmem>>, %arg5: memref<1x128xf32, #tpu.memory_space<vmem>>, %arg6: memref<1000x128xf32, #tpu.memory_space<vmem>>) attributes {dimension_semantics = [#tpu.dimension_semantics<arbitrary>], iteration_bounds = array<i64: 10>, scalar_prefetch = 0 : i64, scratch_operands = 0 : i64, tpu.core_type = #tpu.core_type<tc>, window_params = [{transform_indices = @transform_0, window_bounds = array<i64: 1000, 128>}, {transform_indices = @transform_1, window_bounds = array<i64: 2, 1000, 128>}, {transform_indices = @transform_2, window_bounds = array<i64: 2, 1000, 16>}, {pipeline_mode = #tpu.pipeline_mode<synchronous>, transform_indices = @transform_3, window_bounds = array<i64: 256, 128>}, {pipeline_mode = #tpu.pipeline_mode<synchronous>, transform_indices = @transform_4, window_bounds = array<i64: 1, 128>}, {transform_indices = @transform_5, window_bounds = array<i64: 1000, 128>}]} {
    %get3A = arith.constant 0 : index
    %get3A_0 = arith.constant 0 : index
    %get3A_1 = arith.constant 0 : index
    %get3A_2 = vector.load %arg2[%get3A, %get3A_0, %get3A_1] : memref<2x1000x128xf32, #tpu.memory_space<vmem>>, vector<1x1000x128xf32>
    %get3A_3 = vector.shape_cast %get3A_2 : vector<1x1000x128xf32> to vector<1000x128xf32>
    %get3A_4 = arith.constant 1 : index
    %get3A_5 = arith.constant 0 : index
    %get3A_6 = arith.constant 0 : index
    %get3A_7 = vector.load %arg2[%get3A_4, %get3A_5, %get3A_6] : memref<2x1000x128xf32, #tpu.memory_space<vmem>>, vector<1x1000x128xf32>
    %get3A_8 = vector.shape_cast %get3A_7 : vector<1x1000x128xf32> to vector<1000x128xf32>
    %add3A = arith.addf %get3A_3, %get3A_8 : vector<1000x128xf32>
    %get3A_9 = arith.constant 0 : index
    %get3A_10 = arith.constant 0 : index
    %get3A_11 = arith.constant 0 : index
    %get3A_12 = vector.load %arg3[%get3A_9, %get3A_10, %get3A_11] : memref<2x1000x16xf32, #tpu.memory_space<vmem>>, vector<1x1000x16xf32>
    %get3A_13 = vector.shape_cast %get3A_12 : vector<1x1000x16xf32> to vector<1000x16xf32>
    %get3A_14 = arith.constant 1 : index
    %get3A_15 = arith.constant 0 : index
    %get3A_16 = arith.constant 0 : index
    %get3A_17 = vector.load %arg3[%get3A_14, %get3A_15, %get3A_16] : memref<2x1000x16xf32, #tpu.memory_space<vmem>>, vector<1x1000x16xf32>
    %get3A_18 = vector.shape_cast %get3A_17 : vector<1x1000x16xf32> to vector<1000x16xf32>
    %add3A_19 = arith.addf %get3A_13, %get3A_18 : vector<1000x16xf32>
    %reduce_sum3A = arith.constant dense<0.000000e+00> : vector<1000xf32>
    %reduce_sum3A_20 = vector.multi_reduction <add>, %add3A_19, %reduce_sum3A [1] : vector<1000x16xf32> to vector<1000xf32>
    %broadcast_in_dim3A = vector.shape_cast %reduce_sum3A_20 : vector<1000xf32> to vector<1000x1xf32>
    %mul3A = arith.constant 6.250000e-02 : f32
    %mul3A_21 = vector.broadcast %mul3A : f32 to vector<1000x1xf32>
    %mul3A_22 = arith.mulf %broadcast_in_dim3A, %mul3A_21 : vector<1000x1xf32>
    %max3A = arith.constant 1.000000e+00 : f32
    %max3A_23 = vector.broadcast %max3A : f32 to vector<1000x1xf32>
    %max3A_24 = arith.maximumf %mul3A_22, %max3A_23 : vector<1000x1xf32>
    %div3A = arith.constant 1.000000e+00 : f32
    %div3A_25 = vector.broadcast %div3A : f32 to vector<1000x1xf32>
    %div3A_26 = arith.divf %div3A_25, %max3A_24 : vector<1000x1xf32>
    %mul3A_27 = vector.broadcast %div3A_26 : vector<1000x1xf32> to vector<1000x128xf32>
    %mul3A_28 = arith.mulf %add3A, %mul3A_27 : vector<1000x128xf32>
    %get3A_29 = arith.constant 0 : index
    %get3A_30 = arith.constant 0 : index
    %get3A_31 = vector.load %arg1[%get3A_29, %get3A_30] : memref<1000x128xf32, #tpu.memory_space<vmem>>, vector<1000x128xf32>
    %get3A_32 = arith.constant 0 : index
    %get3A_33 = arith.constant 0 : index
    %get3A_34 = vector.load %arg4[%get3A_32, %get3A_33] : memref<256x128xf32, #tpu.memory_space<vmem>>, vector<128x128xf32>
    %dot_general3A = arith.constant dense<0.000000e+00> : vector<1000x128xf32>
    %dot_general3A_35 = tpu.matmul %get3A_31, %get3A_34, %dot_general3A {dimension_numbers = #tpu.dot_dimension_numbers<[1], [0], [0], [1], [0, 0, 1, 1], [], []>, transpose_lhs_hint = false} : vector<1000x128xf32>, vector<128x128xf32>, vector<1000x128xf32> -> vector<1000x128xf32>
    %get3A_36 = arith.constant 128 : index
    %get3A_37 = arith.constant 0 : index
    %get3A_38 = vector.load %arg4[%get3A_36, %get3A_37] : memref<256x128xf32, #tpu.memory_space<vmem>>, vector<128x128xf32>
    %dot_general3A_39 = arith.constant dense<0.000000e+00> : vector<1000x128xf32>
    %dot_general3A_40 = tpu.matmul %mul3A_28, %get3A_38, %dot_general3A_39 {dimension_numbers = #tpu.dot_dimension_numbers<[1], [0], [0], [1], [0, 0, 1, 1], [], []>, transpose_lhs_hint = false} : vector<1000x128xf32>, vector<128x128xf32>, vector<1000x128xf32> -> vector<1000x128xf32>
    %add3A_41 = arith.addf %dot_general3A_35, %dot_general3A_40 : vector<1000x128xf32>
    %get3A_42 = arith.constant 0 : index
    %get3A_43 = arith.constant 0 : index
    %get3A_44 = vector.load %arg5[%get3A_42, %get3A_43] : memref<1x128xf32, #tpu.memory_space<vmem>>, vector<1x128xf32>
    %add3A_45 = vector.broadcast %get3A_44 : vector<1x128xf32> to vector<1000x128xf32>
    %add3A_46 = arith.addf %add3A_41, %add3A_45 : vector<1000x128xf32>
    %max3A_47 = arith.constant 0.000000e+00 : f32
    %max3A_48 = vector.broadcast %max3A_47 : f32 to vector<1000x128xf32>
    %max3A_49 = arith.maximumf %add3A_46, %max3A_48 : vector<1000x128xf32>
    %mul3A_50 = arith.mulf %max3A_49, %max3A_49 : vector<1000x128xf32>
    %reduce_sum3A_51 = arith.constant dense<0.000000e+00> : vector<1000xf32>
    %reduce_sum3A_52 = vector.multi_reduction <add>, %mul3A_50, %reduce_sum3A_51 [1] : vector<1000x128xf32> to vector<1000xf32>
    %broadcast_in_dim3A_53 = vector.shape_cast %reduce_sum3A_52 : vector<1000xf32> to vector<1000x1xf32>
    %sqrt3A = math.sqrt %broadcast_in_dim3A_53 : vector<1000x1xf32>
    %max3A_54 = arith.constant 9.99999996E-13 : f32
    %max3A_55 = vector.broadcast %max3A_54 : f32 to vector<1000x1xf32>
    %max3A_56 = arith.maximumf %sqrt3A, %max3A_55 : vector<1000x1xf32>
    %div3A_57 = vector.broadcast %max3A_56 : vector<1000x1xf32> to vector<1000x128xf32>
    %div3A_58 = arith.divf %max3A_49, %div3A_57 : vector<1000x128xf32>
    %swap3A = arith.constant 0 : index
    %swap3A_59 = arith.constant 0 : index
    %swap3A_60 = vector.load %arg6[%swap3A, %swap3A_59] : memref<1000x128xf32, #tpu.memory_space<vmem>>, vector<1000x128xf32>
    tpu.vector_store %arg6[%swap3A, %swap3A_59], %div3A_58 {strides = array<i32>} : memref<1000x128xf32, #tpu.memory_space<vmem>>, vector<1000x128xf32>,
    return
  }
  func.func @transform_0(%arg0: i32) -> (i32, i32) {
    %c0_i32 = arith.constant 0 : i32
    %c0_i32_0 = arith.constant 0 : i32
    return %arg0, %c0_i32 : i32, i32
  }
  func.func @transform_1(%arg0: i32) -> (i32, i32, i32) {
    %c0_i32 = arith.constant 0 : i32
    %c0_i32_0 = arith.constant 0 : i32
    %c0_i32_1 = arith.constant 0 : i32
    return %c0_i32, %arg0, %c0_i32_0 : i32, i32, i32
  }
  func.func @transform_2(%arg0: i32) -> (i32, i32, i32) {
    %c0_i32 = arith.constant 0 : i32
    %c0_i32_0 = arith.constant 0 : i32
    %c0_i32_1 = arith.constant 0 : i32
    return %c0_i32, %arg0, %c0_i32_0 : i32, i32, i32
  }
  func.func @transform_3(%arg0: i32) -> (i32, i32) {
    %c0_i32 = arith.constant 0 : i32
    %c0_i32_0 = arith.constant 0 : i32
    %c0_i32_1 = arith.constant 0 : i32
    return %c0_i32, %c0_i32_0 : i32, i32
  }
  func.func @transform_4(%arg0: i32) -> (i32, i32) {
    %c0_i32 = arith.constant 0 : i32
    %c0_i32_0 = arith.constant 0 : i32
    %c0_i32_1 = arith.constant 0 : i32
    return %c0_i32, %c0_i32_0 : i32, i32
  }
  func.func @transform_5(%arg0: i32) -> (i32, i32) {
    %c0_i32 = arith.constant 0 : i32
    %c0_i32_0 = arith.constant 0 : i32
    return %arg0, %c0_i32 : i32, i32
  }
}

module attributes {stable_mosaic.version = 14 : i64} {
  func.func @_layer2_body(%arg0: i32, %arg1: memref<1000x128xf32, #tpu.memory_space<vmem>>, %arg2: memref<2x1000x128xf32, #tpu.memory_space<vmem>>, %arg3: memref<2x1000x16xf32, #tpu.memory_space<vmem>>, %arg4: memref<256x128xf32, #tpu.memory_space<vmem>>, %arg5: memref<1x128xf32, #tpu.memory_space<vmem>>, %arg6: memref<128x128xf32, #tpu.memory_space<vmem>>, %arg7: memref<1x128xf32, #tpu.memory_space<vmem>>, %arg8: memref<128x128xf32, #tpu.memory_space<vmem>>, %arg9: memref<1x128xf32, #tpu.memory_space<vmem>>, %arg10: memref<1000x128xf32, #tpu.memory_space<vmem>>) attributes {dimension_semantics = [#tpu.dimension_semantics<arbitrary>], iteration_bounds = array<i64: 10>, scalar_prefetch = 0 : i64, scratch_operands = 0 : i64, tpu.core_type = #tpu.core_type<tc>, window_params = [{transform_indices = @transform_0, window_bounds = array<i64: 1000, 128>}, {transform_indices = @transform_1, window_bounds = array<i64: 2, 1000, 128>}, {transform_indices = @transform_2, window_bounds = array<i64: 2, 1000, 16>}, {pipeline_mode = #tpu.pipeline_mode<synchronous>, transform_indices = @transform_3, window_bounds = array<i64: 256, 128>}, {pipeline_mode = #tpu.pipeline_mode<synchronous>, transform_indices = @transform_4, window_bounds = array<i64: 1, 128>}, {pipeline_mode = #tpu.pipeline_mode<synchronous>, transform_indices = @transform_5, window_bounds = array<i64: 128, 128>}, {pipeline_mode = #tpu.pipeline_mode<synchronous>, transform_indices = @transform_6, window_bounds = array<i64: 1, 128>}, {pipeline_mode = #tpu.pipeline_mode<synchronous>, transform_indices = @transform_7, window_bounds = array<i64: 128, 128>}, {pipeline_mode = #tpu.pipeline_mode<synchronous>, transform_indices = @transform_8, window_bounds = array<i64: 1, 128>}, {transform_indices = @transform_9, window_bounds = array<i64: 1000, 128>}]} {
    %get3A = arith.constant 0 : index
    %get3A_0 = arith.constant 0 : index
    %get3A_1 = arith.constant 0 : index
    %get3A_2 = vector.load %arg2[%get3A, %get3A_0, %get3A_1] : memref<2x1000x128xf32, #tpu.memory_space<vmem>>, vector<1x1000x128xf32>
    %get3A_3 = vector.shape_cast %get3A_2 : vector<1x1000x128xf32> to vector<1000x128xf32>
    %get3A_4 = arith.constant 1 : index
    %get3A_5 = arith.constant 0 : index
    %get3A_6 = arith.constant 0 : index
    %get3A_7 = vector.load %arg2[%get3A_4, %get3A_5, %get3A_6] : memref<2x1000x128xf32, #tpu.memory_space<vmem>>, vector<1x1000x128xf32>
    %get3A_8 = vector.shape_cast %get3A_7 : vector<1x1000x128xf32> to vector<1000x128xf32>
    %add3A = arith.addf %get3A_3, %get3A_8 : vector<1000x128xf32>
    %get3A_9 = arith.constant 0 : index
    %get3A_10 = arith.constant 0 : index
    %get3A_11 = arith.constant 0 : index
    %get3A_12 = vector.load %arg3[%get3A_9, %get3A_10, %get3A_11] : memref<2x1000x16xf32, #tpu.memory_space<vmem>>, vector<1x1000x16xf32>
    %get3A_13 = vector.shape_cast %get3A_12 : vector<1x1000x16xf32> to vector<1000x16xf32>
    %get3A_14 = arith.constant 1 : index
    %get3A_15 = arith.constant 0 : index
    %get3A_16 = arith.constant 0 : index
    %get3A_17 = vector.load %arg3[%get3A_14, %get3A_15, %get3A_16] : memref<2x1000x16xf32, #tpu.memory_space<vmem>>, vector<1x1000x16xf32>
    %get3A_18 = vector.shape_cast %get3A_17 : vector<1x1000x16xf32> to vector<1000x16xf32>
    %add3A_19 = arith.addf %get3A_13, %get3A_18 : vector<1000x16xf32>
    %reduce_sum3A = arith.constant dense<0.000000e+00> : vector<1000xf32>
    %reduce_sum3A_20 = vector.multi_reduction <add>, %add3A_19, %reduce_sum3A [1] : vector<1000x16xf32> to vector<1000xf32>
    %broadcast_in_dim3A = vector.shape_cast %reduce_sum3A_20 : vector<1000xf32> to vector<1000x1xf32>
    %mul3A = arith.constant 6.250000e-02 : f32
    %mul3A_21 = vector.broadcast %mul3A : f32 to vector<1000x1xf32>
    %mul3A_22 = arith.mulf %broadcast_in_dim3A, %mul3A_21 : vector<1000x1xf32>
    %max3A = arith.constant 1.000000e+00 : f32
    %max3A_23 = vector.broadcast %max3A : f32 to vector<1000x1xf32>
    %max3A_24 = arith.maximumf %mul3A_22, %max3A_23 : vector<1000x1xf32>
    %div3A = arith.constant 1.000000e+00 : f32
    %div3A_25 = vector.broadcast %div3A : f32 to vector<1000x1xf32>
    %div3A_26 = arith.divf %div3A_25, %max3A_24 : vector<1000x1xf32>
    %mul3A_27 = vector.broadcast %div3A_26 : vector<1000x1xf32> to vector<1000x128xf32>
    %mul3A_28 = arith.mulf %add3A, %mul3A_27 : vector<1000x128xf32>
    %get3A_29 = arith.constant 0 : index
    %get3A_30 = arith.constant 0 : index
    %get3A_31 = vector.load %arg1[%get3A_29, %get3A_30] : memref<1000x128xf32, #tpu.memory_space<vmem>>, vector<1000x128xf32>
    %get3A_32 = arith.constant 0 : index
    %get3A_33 = arith.constant 0 : index
    %get3A_34 = vector.load %arg4[%get3A_32, %get3A_33] : memref<256x128xf32, #tpu.memory_space<vmem>>, vector<128x128xf32>
    %dot_general3A = arith.constant dense<0.000000e+00> : vector<1000x128xf32>
    %dot_general3A_35 = tpu.matmul %get3A_31, %get3A_34, %dot_general3A {dimension_numbers = #tpu.dot_dimension_numbers<[1], [0], [0], [1], [0, 0, 1, 1], [], []>, transpose_lhs_hint = false} : vector<1000x128xf32>, vector<128x128xf32>, vector<1000x128xf32> -> vector<1000x128xf32>
    %get3A_36 = arith.constant 128 : index
    %get3A_37 = arith.constant 0 : index
    %get3A_38 = vector.load %arg4[%get3A_36, %get3A_37] : memref<256x128xf32, #tpu.memory_space<vmem>>, vector<128x128xf32>
    %dot_general3A_39 = arith.constant dense<0.000000e+00> : vector<1000x128xf32>
    %dot_general3A_40 = tpu.matmul %mul3A_28, %get3A_38, %dot_general3A_39 {dimension_numbers = #tpu.dot_dimension_numbers<[1], [0], [0], [1], [0, 0, 1, 1], [], []>, transpose_lhs_hint = false} : vector<1000x128xf32>, vector<128x128xf32>, vector<1000x128xf32> -> vector<1000x128xf32>
    %add3A_41 = arith.addf %dot_general3A_35, %dot_general3A_40 : vector<1000x128xf32>
    %get3A_42 = arith.constant 0 : index
    %get3A_43 = arith.constant 0 : index
    %get3A_44 = vector.load %arg5[%get3A_42, %get3A_43] : memref<1x128xf32, #tpu.memory_space<vmem>>, vector<1x128xf32>
    %add3A_45 = vector.broadcast %get3A_44 : vector<1x128xf32> to vector<1000x128xf32>
    %add3A_46 = arith.addf %add3A_41, %add3A_45 : vector<1000x128xf32>
    %max3A_47 = arith.constant 0.000000e+00 : f32
    %max3A_48 = vector.broadcast %max3A_47 : f32 to vector<1000x128xf32>
    %max3A_49 = arith.maximumf %add3A_46, %max3A_48 : vector<1000x128xf32>
    %mul3A_50 = arith.mulf %max3A_49, %max3A_49 : vector<1000x128xf32>
    %reduce_sum3A_51 = arith.constant dense<0.000000e+00> : vector<1000xf32>
    %reduce_sum3A_52 = vector.multi_reduction <add>, %mul3A_50, %reduce_sum3A_51 [1] : vector<1000x128xf32> to vector<1000xf32>
    %broadcast_in_dim3A_53 = vector.shape_cast %reduce_sum3A_52 : vector<1000xf32> to vector<1000x1xf32>
    %sqrt3A = math.sqrt %broadcast_in_dim3A_53 : vector<1000x1xf32>
    %max3A_54 = arith.constant 9.99999996E-13 : f32
    %max3A_55 = vector.broadcast %max3A_54 : f32 to vector<1000x1xf32>
    %max3A_56 = arith.maximumf %sqrt3A, %max3A_55 : vector<1000x1xf32>
    %div3A_57 = vector.broadcast %max3A_56 : vector<1000x1xf32> to vector<1000x128xf32>
    %div3A_58 = arith.divf %max3A_49, %div3A_57 : vector<1000x128xf32>
    %get3A_59 = arith.constant 0 : index
    %get3A_60 = arith.constant 0 : index
    %get3A_61 = vector.load %arg6[%get3A_59, %get3A_60] : memref<128x128xf32, #tpu.memory_space<vmem>>, vector<128x128xf32>
    %dot_general3A_62 = arith.constant dense<0.000000e+00> : vector<1000x128xf32>
    %dot_general3A_63 = tpu.matmul %div3A_58, %get3A_61, %dot_general3A_62 {dimension_numbers = #tpu.dot_dimension_numbers<[1], [0], [0], [1], [0, 0, 1, 1], [], []>, transpose_lhs_hint = false} : vector<1000x128xf32>, vector<128x128xf32>, vector<1000x128xf32> -> vector<1000x128xf32>
    %get3A_64 = arith.constant 0 : index
    %get3A_65 = arith.constant 0 : index
    %get3A_66 = vector.load %arg7[%get3A_64, %get3A_65] : memref<1x128xf32, #tpu.memory_space<vmem>>, vector<1x128xf32>
    %add3A_67 = vector.broadcast %get3A_66 : vector<1x128xf32> to vector<1000x128xf32>
    %add3A_68 = arith.addf %dot_general3A_63, %add3A_67 : vector<1000x128xf32>
    %get3A_69 = arith.constant 0 : index
    %get3A_70 = arith.constant 0 : index
    %get3A_71 = vector.load %arg8[%get3A_69, %get3A_70] : memref<128x128xf32, #tpu.memory_space<vmem>>, vector<128x128xf32>
    %dot_general3A_72 = arith.constant dense<0.000000e+00> : vector<1000x128xf32>
    %dot_general3A_73 = tpu.matmul %add3A_68, %get3A_71, %dot_general3A_72 {dimension_numbers = #tpu.dot_dimension_numbers<[1], [0], [0], [1], [0, 0, 1, 1], [], []>, transpose_lhs_hint = false} : vector<1000x128xf32>, vector<128x128xf32>, vector<1000x128xf32> -> vector<1000x128xf32>
    %get3A_74 = arith.constant 0 : index
    %get3A_75 = arith.constant 0 : index
    %get3A_76 = vector.load %arg9[%get3A_74, %get3A_75] : memref<1x128xf32, #tpu.memory_space<vmem>>, vector<1x128xf32>
    %add3A_77 = vector.broadcast %get3A_76 : vector<1x128xf32> to vector<1000x128xf32>
    %add3A_78 = arith.addf %dot_general3A_73, %add3A_77 : vector<1000x128xf32>
    %reduce_max3A = arith.constant dense<0xFF800000> : vector<1000xf32>
    %reduce_max3A_79 = vector.multi_reduction <maximumf>, %add3A_78, %reduce_max3A [1] : vector<1000x128xf32> to vector<1000xf32>
    %broadcast_in_dim3A_80 = vector.shape_cast %reduce_max3A_79 : vector<1000xf32> to vector<1000x1xf32>
    %sub3A = vector.broadcast %broadcast_in_dim3A_80 : vector<1000x1xf32> to vector<1000x128xf32>
    %sub3A_81 = arith.subf %add3A_78, %sub3A : vector<1000x128xf32>
    %exp3A = math.exp %sub3A_81 : vector<1000x128xf32>
    %reduce_sum3A_82 = arith.constant dense<0.000000e+00> : vector<1000xf32>
    %reduce_sum3A_83 = vector.multi_reduction <add>, %exp3A, %reduce_sum3A_82 [1] : vector<1000x128xf32> to vector<1000xf32>
    %broadcast_in_dim3A_84 = vector.shape_cast %reduce_sum3A_83 : vector<1000xf32> to vector<1000x1xf32>
    %log3A = math.log %broadcast_in_dim3A_84 : vector<1000x1xf32>
    %sub3A_85 = vector.broadcast %log3A : vector<1000x1xf32> to vector<1000x128xf32>
    %sub3A_86 = arith.subf %sub3A_81, %sub3A_85 : vector<1000x128xf32>
    %swap3A = arith.constant 0 : index
    %swap3A_87 = arith.constant 0 : index
    %swap3A_88 = vector.load %arg10[%swap3A, %swap3A_87] : memref<1000x128xf32, #tpu.memory_space<vmem>>, vector<1000x128xf32>
    tpu.vector_store %arg10[%swap3A, %swap3A_87], %sub3A_86 {strides = array<i32>} : memref<1000x128xf32, #tpu.memory_space<vmem>>, vector<1000x128xf32>,
    return
  }
  func.func @transform_0(%arg0: i32) -> (i32, i32) {
    %c0_i32 = arith.constant 0 : i32
    %c0_i32_0 = arith.constant 0 : i32
    return %arg0, %c0_i32 : i32, i32
  }
  func.func @transform_1(%arg0: i32) -> (i32, i32, i32) {
    %c0_i32 = arith.constant 0 : i32
    %c0_i32_0 = arith.constant 0 : i32
    %c0_i32_1 = arith.constant 0 : i32
    return %c0_i32, %arg0, %c0_i32_0 : i32, i32, i32
  }
  func.func @transform_2(%arg0: i32) -> (i32, i32, i32) {
    %c0_i32 = arith.constant 0 : i32
    %c0_i32_0 = arith.constant 0 : i32
    %c0_i32_1 = arith.constant 0 : i32
    return %c0_i32, %arg0, %c0_i32_0 : i32, i32, i32
  }
  func.func @transform_3(%arg0: i32) -> (i32, i32) {
    %c0_i32 = arith.constant 0 : i32
    %c0_i32_0 = arith.constant 0 : i32
    %c0_i32_1 = arith.constant 0 : i32
    return %c0_i32, %c0_i32_0 : i32, i32
  }
  func.func @transform_4(%arg0: i32) -> (i32, i32) {
    %c0_i32 = arith.constant 0 : i32
    %c0_i32_0 = arith.constant 0 : i32
    %c0_i32_1 = arith.constant 0 : i32
    return %c0_i32, %c0_i32_0 : i32, i32
  }
  func.func @transform_5(%arg0: i32) -> (i32, i32) {
    %c0_i32 = arith.constant 0 : i32
    %c0_i32_0 = arith.constant 0 : i32
    %c0_i32_1 = arith.constant 0 : i32
    return %c0_i32, %c0_i32_0 : i32, i32
  }
  func.func @transform_6(%arg0: i32) -> (i32, i32) {
    %c0_i32 = arith.constant 0 : i32
    %c0_i32_0 = arith.constant 0 : i32
    %c0_i32_1 = arith.constant 0 : i32
    return %c0_i32, %c0_i32_0 : i32, i32
  }
  func.func @transform_7(%arg0: i32) -> (i32, i32) {
    %c0_i32 = arith.constant 0 : i32
    %c0_i32_0 = arith.constant 0 : i32
    %c0_i32_1 = arith.constant 0 : i32
    return %c0_i32, %c0_i32_0 : i32, i32
  }
  func.func @transform_8(%arg0: i32) -> (i32, i32) {
    %c0_i32 = arith.constant 0 : i32
    %c0_i32_0 = arith.constant 0 : i32
    %c0_i32_1 = arith.constant 0 : i32
    return %c0_i32, %c0_i32_0 : i32, i32
  }
  func.func @transform_9(%arg0: i32) -> (i32, i32) {
    %c0_i32 = arith.constant 0 : i32
    %c0_i32_0 = arith.constant 0 : i32
    return %arg0, %c0_i32 : i32, i32
  }
}

</mosaic_0001>

<sc_bundles>
// kernel: kernel.11.cloned.1.call-start
scs
__scs_entry_jumppad:
0x0: {  	(pc) =	sbr.rel $0x88, $3  }
0x1: {  	(tag) =	ssettag $0x0;
	lr =	simm.s32 $0x1  }
0x2: {  	[smem:$0x3F97] =	sst lr;
	_ =	strace $0xD0000000  }
0x3: {  	_ = 	snop  }
0x4: {  	_ = 	snop  }
0x5: {  	_ = 	snop  }
0x6: {  	_ = 	snop  }
0x7: {  	_ = 	snop  }
__scs_overlays_trampoline_lowered:
0x8: {  	[smem:$0x3FA6] =	sst s0  }
0x9: {  	[smem:$0x3FA7] =	sst s1  }
0xa: {  	[smem:$0x3FA8] =	sst s2  }
0xb: {  	[smem:$0x3FA9] =	sst s3  }
0xc: {  	[smem:$0x3FAA] =	sst s4  }
0xd: {  	[smem:$0x3FAB] =	sst s5  }
0xe: {  	[smem:$0x3FAC] =	sst s6  }
0xf: {  	[smem:$0x3FAD] =	sst s7  }
0x10: {  	[smem:$0x3FAE] =	sst s8  }
0x11: {  	[smem:$0x3FAF] =	sst s9;
	s0 =	simm.s32 @!p0 $0x0  }
0x12: {  	s1 =	sld [smem:$0x3F95];
	s0 =	simm.s32 @p0 $0x1  }
0x13: {  	[smem:$0x3FB0] =	sst s0;
	s0 =	simm.s32 @!p1 $0x0  }
0x14: {  	s2 =	sld [smem:$0x3F94];
	s0 =	simm.s32 @p1 $0x1  }
0x15: {  	[smem:$0x3FB1] =	sst s0;
	s0 =	simm.s32 @!p2 $0x0  }
0x16: {  	s3 =	sld [smem:$0x3FDB];
	s0 =	simm.s32 @p2 $0x1  }
0x17: {  	s4 =	simm.s32 $0x1BF5;
	[smem:$0x3FB3] =	sst s0  }
0x18: {  	s0 =	sld [smem:$0x3F96];
	_ =	swait.ge [sflag:s4], $0x0  }
0x19: {  	s7 =	sld [smem:$0x3F97]  }
0x1a: {  	s8 =	sadd.s32 $0xFFFFE003, lr  }
0x1b: {  	s9 =	sadd.s32 $0xFFFFFEF7, lr;
	s5 =	simm.s32 $0xFFFFFFFF;
	p2 =	slt.u32 s8, $0xFFFFF086  }
0x1c: {  	p1 =	slt.u32 s9, $0xF7A;
	s5 =	simm.s32 @!p2 $0x0  }
0x1d: {  	s5 =	simm.s32 @p1 $0x1;
	p0 =	seq.s32 s7, s2  }
0x1e: {  	s7 =	smul.u32 @!p0 $0xF7A, s2;
	p2 =	seq.s32 @!p0 s5, $0x0  }
0x1f: {  	s9 =	smul.u32 $0xF7A, s1;
	s8 =	simm.s32 @!p0 $0x1BF5;
	p2 =	por !p2, p0  }
0x20: {  	[sflag:s8] =	ssyncset.s32 @!p0 $0xFFFFF086;
	s6 =	sadd.s32 @!p0 s3, s7;
	s7 =	simm.s32 @!p0 $0x108  }
0x21: {  	s3 =	sadd.s32 s3, s9;
	s6 =	sadd.s32 @!p0 $0x88, s6;
	s7 =	simm.s32 @p2 $0x1082  }
0x22: {  	[simem:s7], [sflag:s8] =	dma.local @!p0 [hbm:s6], $0xF7A  }
0x23: {  	s9 =	sor.u32 $0xD0000000, s2;
	s6 =	simm.s32 $0x108;
	_ =	swait.ge @!p0 [sflag:s8], $0x0  }
0x24: {  	s3 =	sadd.s32 $0x88, s3;
	s6 =	simm.s32 @!p1 $0x1082;
	[sflag:s4] =	ssyncset.s32 $0xFFFFF086  }
0x25: {  	[simem:s6], [sflag:s4] =	dma.local [hbm:s3], $0xF7A  }
0x26: {  	[smem:$0x3F97] =	sst s1;
	(tag) =	ssettag s2;
	_ =	strace s9  }
0x27: {  	s1 =	sld [smem:$0x3FA7]  }
0x28: {  	s2 =	sld [smem:$0x3FA8]  }
0x29: {  	s4 =	sld [smem:$0x3FAA]  }
0x2a: {  	p0 =	seq.s32 s5, $0x0;
	s5 =	sld [smem:$0x3FAB]  }
0x2b: {  	s6 =	sld [smem:$0x3FAC]  }
0x2c: {  	s7 =	sld [smem:$0x3FAD]  }
0x2d: {  	s3 =	simm.s32 $0x108;
	s8 =	sld [smem:$0x3FAE]  }
0x2e: {  	s3 =	simm.s32 @!p0 $0x1082;
	s9 =	sld [smem:$0x3FAF]  }
0x2f: {  	lr =	sadd.s32 s0, s3;
	s0 =	sld [smem:$0x3FA6]  }
0x30: {  	s3 =	sld [smem:$0x3FA9]  }
0x31: {  	[smem:$0x3FB2] =	sst s10  }
0x32: {  	s10 =	sld [smem:$0x3FB0];
	_ =	sdelay $0x3  }
0x33: {  	p0 =	seq.s32 s10, $0x1;
	s10 =	sld [smem:$0x3FB2];
	_ =	sdelay $0x3  }
0x34: {  	[smem:$0x3FB2] =	sst s10  }
0x35: {  	s10 =	sld [smem:$0x3FB1];
	_ =	sdelay $0x3  }
0x36: {  	p1 =	seq.s32 s10, $0x1;
	s10 =	sld [smem:$0x3FB2];
	_ =	sdelay $0x3  }
0x37: {  	[smem:$0x3FB2] =	sst s10  }
0x38: {  	s10 =	sld [smem:$0x3FB3]  }
0x39: {  	_ = 	snop;
	(pc) =	sbr.ind lr, $3  }
0x3a: {  	_ = 	snop  }
0x3b: {  	_ = 	snop  }
0x3c: {  	p2 =	seq.s32 s10, $0x1;
	s10 =	sld [smem:$0x3FB2]  }
0x3d: {  	_ =	shalt  }
0x3e: {  	_ =	shalt  }
0x3f: {  	_ =	shalt  }
0x40: {  	_ =	shalt  }
0x41: {  	_ =	shalt  }
0x42: {  	_ =	shalt  }
0x43: {  	_ =	shalt  }
0x44: {  	_ =	shalt  }
0x45: {  	_ =	shalt  }
0x46: {  	_ =	shalt  }
0x47: {  	_ =	shalt  }
0x48: {  	_ =	shalt  }
0x49: {  	_ =	shalt  }
0x4a: {  	_ =	shalt  }
0x4b: {  	_ =	shalt  }
0x4c: {  	_ =	shalt  }
0x4d: {  	_ =	shalt  }
0x4e: {  	_ =	shalt  }
0x4f: {  	_ =	shalt  }
0x50: {  	_ =	shalt  }
0x51: {  	_ =	shalt  }
0x52: {  	_ =	shalt  }
0x53: {  	_ =	shalt  }
0x54: {  	_ =	shalt  }
0x55: {  	_ =	shalt  }
0x56: {  	_ =	shalt  }
0x57: {  	_ =	shalt  }
0x58: {  	_ =	shalt  }
0x59: {  	_ =	shalt  }
0x5a: {  	_ =	shalt  }
0x5b: {  	_ =	shalt  }
0x5c: {  	_ =	shalt  }
0x5d: {  	_ =	shalt  }
0x5e: {  	_ =	shalt  }
0x5f: {  	_ =	shalt  }
0x60: {  	_ =	shalt  }
0x61: {  	_ =	shalt  }
0x62: {  	_ =	shalt  }
0x63: {  	_ =	shalt  }
0x64: {  	_ =	shalt  }
0x65: {  	_ =	shalt  }
0x66: {  	_ =	shalt  }
0x67: {  	_ =	shalt  }
0x68: {  	_ =	shalt  }
0x69: {  	_ =	shalt  }
0x6a: {  	_ =	shalt  }
0x6b: {  	_ =	shalt  }
0x6c: {  	_ =	shalt  }
0x6d: {  	_ =	shalt  }
0x6e: {  	_ =	shalt  }
0x6f: {  	_ =	shalt  }
0x70: {  	_ =	shalt  }
0x71: {  	_ =	shalt  }
0x72: {  	_ =	shalt  }
0x73: {  	_ =	shalt  }
0x74: {  	_ =	shalt  }
0x75: {  	_ =	shalt  }
0x76: {  	_ =	shalt  }
0x77: {  	_ =	shalt  }
0x78: {  	_ =	shalt  }
0x79: {  	_ =	shalt  }
0x7a: {  	_ =	shalt  }
0x7b: {  	_ =	shalt  }
0x7c: {  	_ =	shalt  }
0x7d: {  	_ =	shalt  }
0x7e: {  	_ =	shalt  }
0x7f: {  	_ =	shalt  }
0x80: {  	_ =	shalt  }
0x81: {  	_ =	shalt  }
0x82: {  	_ =	shalt  }
0x83: {  	_ =	shalt  }
0x84: {  	_ =	shalt  }
0x85: {  	_ =	shalt  }
0x86: {  	_ =	shalt  }
0x87: {  	_ =	shalt  }
.Lfunc_end0:
.L_simem_size_0:
called_computation.1_lowered:
.L_overlay_start_0:
0x88: {  	s2 =	sld [smem:$0x3FD9]  }
0x89: {  	s3 =	sld [smem:$0x3FFE];
	_ =	sdelay $0x1  }
0x8a: {  	s1 =	srdreg.scid  }
0x8b: {  	s0 =	sand.u32 $0x1, s1  }
0x8c: {  	s17 =	sshll.u32 s0, $0xA;
	s2 =	sadd.s32 s3, s2  }
0x8d: {  	s2 =	sadd.s32 s2, s17  }
0x8e: {  	[smem:$0x3FBE] =	sst s2  }
0x8f: {  	_ = 	snop  }
0x90: {  	s2 =	sld [smem:$0x3FC9];
	(tm) =	ssettm $0x1  }
0x91: {  	s18 =	sld [smem:$0x3FFB];
	_ =	sdelay $0x3  }
0x92: {  	_ =	strace s18  }
0x93: {  	s3 =	sld [smem:$0x3FFC];
	_ =	sdelay $0x3  }
0x94: {  	_ =	strace s3  }
0x95: {  	s3 =	sld [smem:$0x3FFD];
	_ =	sdelay $0x3  }
0x96: {  	_ =	strace s3  }
0x97: {  	_ =	strace $0x8FFFFFFF  }
0x98: {  	s19 =	sld [smem:$0x3FDB];
	_ =	sdelay $0x1  }
0x99: {  	s4 =	simm.s32 $_scs_section_size  }
0x9a: {  	s5 =	simm.s32 $_size__tile_overlayer_lowered;
	s6 =	simm.s32 $_tile_overlayer_lowered  }
0x9b: {  	s22 =	simm.s32 $0x1BFF;
	s21 =	sshll.u32 s6, $0x1;
	s3 =	sadd.s32 s4, s19  }
0x9c: {  	s7 =	simm.s32 $0x0;
	s20 =	sshll.u32 s5, $0x1;
	s5 =	sadd.s32 s21, s3  }
0x9d: {  	[timem:s7], [sflag:s22] =	dma.local [hbm:s5], s20  }
0x9e: {  	_ =	swait.ge [sflag:s22], s20  }
0x9f: {  	s4 =	ssub.s32 $0x0, s20;
	[sflag:s22] =	ssyncset.done $0x0  }
0xa0: {  	[sflag:s22] =	ssyncadd.s32 s4;
	_ =	sdelay $0x1  }
0xa1: {  	s23 =	simm.s32 $0x1B8B  }
0xa2: {  	_ =	swait.ge [sflag:s23], $0x1  }
0xa3: {  	[sflag:s23] =	ssyncset.done $0x0  }
0xa4: {  	s25 =	simm.s32 $0x1B8E;
	s24 =	sld [smem:$0x3FFE];
	[sflag:s23] =	ssyncadd.s32 $0xFFFFFFFF  }
0xa5: {  	s26 =	simm.s32 $execute0_lowered;
	[smem:$0x3FD2] =	sst s25  }
0xa6: {  	s5 =	sshll.u32 s26, $0x1;
	_ =	strace $0x80000046;
	[dreg:$0x1] =	wrdreg $0xFFFFFFFF  }
0xa7: {  	s28 =	simm.s32 $_size_execute0_lowered;
	s3 =	sadd.s32 s3, s5;
	[dreg:$0x0] =	wrdreg $0x0  }
0xa8: {  	s5 =	sshll.u32 s28, $0x1;
	[dreg:$0x2] =	wrdreg s3  }
0xa9: {  	[dreg:$0x3] =	wrdreg s5  }
0xaa: {  	[dreg:$0x4] =	wrdreg $0xC0  }
0xab: {  	_ =	task [dreg:s7], $0x5FFFF  }
0xac: {  	[dreg:$0x1] =	wrdreg $0xFFFFFFFF  }
0xad: {  	[dreg:$0x0] =	wrdreg $0x60  }
0xae: {  	[dreg:$0x2] =	wrdreg s2  }
0xaf: {  	[dreg:$0x3] =	wrdreg s24  }
0xb0: {  	[dreg:$0x4] =	wrdreg $0x41000  }
0xb1: {  	[dreg:$0x5] =	wrdreg $0xA  }
0xb2: {  	_ =	task.clear_ibuf [dreg:s7], $0x6FFFF;
	_ =	strace $0x90000046  }
0xb3: {  	s29 =	simm.s32 $0xA;
	_ =	strace $0x80000048  }
0xb4: {  	_ =	swait.ge [sflag:s29], $0x1  }
0xb5: {  	[sflag:s29] =	ssyncadd.s32 $0xFFFFFFFF  }
0xb6: {  	_ =	strace $0x90000048  }
0xb7: {  	_ =	sfence  }
0xb8: {  	s30 =	sld [smem:$0x0];
	_ =	sdelay $0x2  }
0xb9: {  	s31 =	sshll.u32 s1, $0xD;
	s1 =	sshrl.u32 s1, $0x2  }
0xba: {  	s3 =	sand.u32 $0x4000, s31;
	s1 =	sadd.s32 s1, s30  }
0xbb: {  	s0 =	sor.u32 s3, s0;
	s1 =	sshll.u32 s1, $0x11  }
0xbc: {  	s0 =	sor.u32 s1, s0  }
0xbd: {  	s0 =	sadd.s32 $0x8F2B, s0  }
0xbe: {  	[sflag:s0] =	ssyncadd.remote.s32 $0x1  }
0xbf: {  	_ =	sfence.sel $0xFFFF  }
0xc0: {  	[dreg:$0x0] =	wrdreg $0xFFFFFFFF;
	(pc) =	sbr.abs _section_cstart, $3  }
0xc1: {  	[dreg:$0x1] =	wrdreg $0xFFFFFFFF  }
0xc2: {  	_ =	task.clear_ibuf [dreg:s7], $0x2FFFF;
	_ =	strace $0x9FFFFFFF  }
0xc3: {  	(tm) =	ssettm $0x7FFFFFFF  }
tec
execute0_lowered:
.L_overlay_start_1:
0x0: {  	(tag) =	ssettag $0x1  }
0x1: {  	s2 =	rddreg [dreg:$0x0]  }
0x2: {  	s5 =	rddreg [dreg:$0x1]  }
0x3: {  	s3 =	rddreg [dreg:$0x2]  }
0x4: {  	s0 =	rddreg [dreg:$0x3];
	s1 =	stileid.u32  }
0x5: {  	s6 =	srdreg.scid;
	s4 =	simm.s32 $0x0;
	s18 =	simm.s32 $0x2  }
0x6: {  	s19 =	simm.s32 $0x80;
	s20 =	simm.s32 $0x1;
	s7 =	smul.u32 $0x280, s1  }
0x7: {  	s21 =	simm.s32 $0x0;
	s6 =	sand.u32 $0x1, s6;
	s10 =	smul.u32 $0x50000, s1  }
0x8: {  	[smem:$0x7FF] =	sst s4;
	s9 =	sshll.u32 s1, $0x6;
	s8 =	smul.u32 $0x2800, s6  }
0x9: {  	_ =	strace $0x80000047;
	s16 =	sadd.s32 s9, s5;
	s29 =	ssub.s32 $0x2, s6  }
0xa: {  	s17 =	sshll.u32 s6, $0x5;
	s30 =	sshrl.u32 s29, $0x1;
	s10 =	sshrl.u32 s10, $0x2  }
0xb: {  	s16 =	sadd.s32 s17, s16;
	s17 =	simm.s32 $0x100;
	s7 =	sadd.s32 s7, s8  }
0xc: {  	s31 =	ssub.s32 s29, s30;
	s16 =	sadd.s32 $0x3000, s16;
	s7 =	sshll.u32 s7, $0x4  }
0xd: {  	s6 =	smax.u32 s31, $0x1;
	s15 =	sadd.s32 s7, s5;
	s5 =	sadd.s32 s10, s3  }
0xe: {  	s7 =	sadd.s32 $0x4000, s5;
	s8 =	sadd.s32 $0x8000, s5;
	s9 =	sadd.s32 $0xC000, s5  }
0xf: {  	s10 =	sadd.s32 $0x10000, s5;
	s11 =	sadd.s32 $0x16C00, s15;
	s12 =	sadd.s32 $0x17400, s15  }
0x10: {  	v0 =	vimm.f32 $0.0e+00;
	s13 =	sadd.s32 $0x17C00, s15;
	s14 =	sadd.s32 $0x18400, s15;
	s15 =	sadd.s32 $0x18C00, s15  }
.LBB2_1:
0x11: {  	s22 =	simm.s32 $0x0;
	s23 =	simm.s32 $0x200  }
.LBB2_2:
0x12: {  	p0 =	sne.s32 s23, $0xFE00;
	[tilespmem:s22+$0x170] =	vst v0  }
0x13: {  	[tilespmem:s22+$0x100] =	vst v0  }
0x14: {  	[tilespmem:s22+$0x110] =	vst v0  }
.Ltmp0:
0x15: {  	[tilespmem:s22+$0x120] =	vst v0;
	(pc) =	sbr.rel @p0 .LBB2_2-.Ltmp0, $4  }
0x16: {  	[tilespmem:s22+$0x130] =	vst v0  }
0x17: {  	[tilespmem:s22+$0x140] =	vst v0  }
0x18: {  	[tilespmem:s22+$0x150] =	vst v0  }
0x19: {  	[tilespmem:s22+$0x160] =	vst v0;
	s22 =	sshra.s32 s23, $0x2;
	s23 =	sadd.s32 $0x200, s23  }
0x1a: {  	[tilespmem:s22+$0x170] =	vst v0  }
0x1b: {  	[tilespmem:s22+$0x100] =	vst v0  }
0x1c: {  	[tilespmem:s22+$0x110] =	vst v0  }
0x1d: {  	[tilespmem:s22+$0x120] =	vst v0  }
0x1e: {  	[tilespmem:s22+$0x130] =	vst v0  }
0x1f: {  	[tilespmem:s22+$0x140] =	vst v0  }
0x20: {  	[tilespmem:s22+$0x150] =	vst v0  }
0x21: {  	[tilespmem:s22+$0x160] =	vst v0  }
0x22: {  	[spmem:s5] =	stream.linear.scatter [tilespmem:s17], [sflag:$0x2], $0x4000, $0x38;
	[tilespmem:$0x18100] =	vst v63  }
0x23: {  	_ =	swait.ge [sflag:s18], $0x4000  }
0x24: {  	[sflag:s18] =	ssyncset.done $0x0  }
0x25: {  	[sflag:s18] =	ssyncadd.s32 $0xFFFFC000  }
0x26: {  	[spmem:s7] =	stream.linear.scatter [tilespmem:s17], [sflag:$0x2], $0x4000, $0x38;
	[tilespmem:$0x18100] =	vst v63  }
0x27: {  	_ =	swait.ge [sflag:s18], $0x4000  }
0x28: {  	[sflag:s18] =	ssyncset.done $0x0  }
0x29: {  	[sflag:s18] =	ssyncadd.s32 $0xFFFFC000  }
0x2a: {  	[spmem:s8] =	stream.linear.scatter [tilespmem:s17], [sflag:$0x2], $0x4000, $0x38;
	[tilespmem:$0x18100] =	vst v63  }
0x2b: {  	_ =	swait.ge [sflag:s18], $0x4000  }
0x2c: {  	[sflag:s18] =	ssyncset.done $0x0  }
0x2d: {  	[sflag:s18] =	ssyncadd.s32 $0xFFFFC000  }
0x2e: {  	[spmem:s9] =	stream.linear.scatter [tilespmem:s17], [sflag:$0x2], $0x4000, $0x38;
	[tilespmem:$0x18100] =	vst v63  }
0x2f: {  	_ =	swait.ge [sflag:s18], $0x4000  }
0x30: {  	[sflag:s18] =	ssyncset.done $0x0  }
0x31: {  	[sflag:s18] =	ssyncadd.s32 $0xFFFFC000  }
0x32: {  	[spmem:s10] =	stream.linear.scatter [tilespmem:s17], [sflag:$0x2], $0x4000, $0x38;
	[tilespmem:$0x18100] =	vst v63  }
0x33: {  	_ =	swait.ge [sflag:s18], $0x4000  }
0x34: {  	[sflag:s18] =	ssyncset.done $0x0  }
0x35: {  	[sflag:s18] =	ssyncadd.s32 $0xFFFFC000  }
0x36: {  	s31 =	sadd.s32 $0x0, s16;
	[bflag:$0x0] =	sbarrier.arrive $0xFFFF  }
0x37: {  	[tilespmem:s4], [sflag:$0x2] =	stream.linear.gather [hbm4b:s31+s4], $0x100, $0x38;
	[tilespmem:$0x18100] =	vst v63  }
0x38: {  	_ =	swait.ge [sflag:s18], $0x100  }
0x39: {  	[sflag:s18] =	ssyncset.done $0x0  }
0x3a: {  	[sflag:s18] =	ssyncadd.s32 $0xFFFFFF00  }
0x3b: {  	[tilespmem:s17], [sflag:$0x1] =	stream.indirect.gather [hbm4b:s2+s19], $0x80, s4, s19, $0xb8;
	[tilespmem:$0x18100] =	vst v63  }
0x3c: {  	_ =	swait.ge [sflag:s20], $0x4000  }
0x3d: {  	[sflag:s20] =	ssyncset.done $0x0  }
0x3e: {  	[sflag:s20] =	ssyncadd.s32 $0xFFFFC000  }
0x3f: {  	[spmem:s3] =	stream.indirect.scatter.add.f32 [tilespmem:s17], [sflag:$0x2], $0x80, s19, s19, $0xb8;
	[tilespmem:$0x18100] =	vst v63  }
0x40: {  	_ =	swait.ge [sflag:s18], $0x4000  }
0x41: {  	s22 =	simm.s32 $0x400;
	s23 =	simm.s32 $0x800;
	[sflag:s18] =	ssyncset.done $0x0  }
.LBB2_4:
0x42: {  	s24 =	sadd.s32 s22, s16  }
0x43: {  	[sflag:s18] =	ssyncadd.s32 $0xFFFFC000;
	s22 =	smov.u32 s23;
	s25 =	sadd.s32 $0x400, s23  }
0x44: {  	[tilespmem:s4], [sflag:$0x2] =	stream.linear.gather [hbm4b:s24+s4], $0x100, $0x38;
	[tilespmem:$0x18100] =	vst v63  }
0x45: {  	p0 =	sne.s32 s23, $0x13800;
	_ =	swait.ge [sflag:s18], $0x100  }
0x46: {  	[sflag:s18] =	ssyncset.done $0x0  }
0x47: {  	[sflag:s18] =	ssyncadd.s32 $0xFFFFFF00  }
0x48: {  	[tilespmem:s17], [sflag:$0x1] =	stream.indirect.gather [hbm4b:s2+s19], $0x80, s4, s19, $0xb8;
	[tilespmem:$0x18100] =	vst v63  }
0x49: {  	_ =	swait.ge [sflag:s20], $0x4000  }
.Ltmp1:
0x4a: {  	[sflag:s20] =	ssyncset.done $0x0;
	(pc) =	sbr.rel @p0 .LBB2_4-.Ltmp1, $4  }
0x4b: {  	[sflag:s20] =	ssyncadd.s32 $0xFFFFC000  }
0x4c: {  	[spmem:s3] =	stream.indirect.scatter.add.f32 [tilespmem:s17], [sflag:$0x2], $0x80, s19, s19, $0xb8;
	[tilespmem:$0x18100] =	vst v63  }
0x4d: {  	_ =	swait.ge [sflag:s18], $0x4000  }
0x4e: {  	s23 =	smov.u32 s25;
	[sflag:s18] =	ssyncset.done $0x0  }
0x4f: {  	s22 =	sadd.s32 s22, s16;
	[sflag:s18] =	ssyncadd.s32 $0xFFFFC000  }
0x50: {  	[tilespmem:s4], [sflag:$0x2] =	stream.linear.gather [hbm4b:s22+s4], $0x100, $0x38;
	[tilespmem:$0x18100] =	vst v63  }
0x51: {  	_ =	swait.ge [sflag:s18], $0x100  }
0x52: {  	[sflag:s18] =	ssyncset.done $0x0  }
0x53: {  	[sflag:s18] =	ssyncadd.s32 $0xFFFFFF00  }
0x54: {  	[tilespmem:s17], [sflag:$0x1] =	stream.indirect.gather [hbm4b:s2+s19], $0x80, s4, s19, $0xb8;
	[tilespmem:$0x18100] =	vst v63  }
0x55: {  	_ =	swait.ge [sflag:s20], $0x4000  }
0x56: {  	[sflag:s20] =	ssyncset.done $0x0  }
0x57: {  	[sflag:s20] =	ssyncadd.s32 $0xFFFFC000  }
0x58: {  	[spmem:s3] =	stream.indirect.scatter.add.f32 [tilespmem:s17], [sflag:$0x2], $0x80, s19, s19, $0xb8;
	[tilespmem:$0x18100] =	vst v63  }
0x59: {  	_ =	swait.ge [sflag:s18], $0x4000  }
0x5a: {  	[sflag:s18] =	ssyncset.done $0x0  }
0x5b: {  	[sflag:s18] =	ssyncadd.s32 $0xFFFFC000  }
0x5c: {  	[bflag:$0x0] =	sbarrier.arrive $0xFFFF  }
0x5d: {  	[tilespmem:s17], [sflag:$0x2] =	stream.linear.gather [spmem:s5], $0x4000, $0x38;
	[tilespmem:$0x18100] =	vst v63  }
0x5e: {  	_ =	swait.ge [sflag:s18], $0x4000  }
0x5f: {  	[sflag:s18] =	ssyncset.done $0x0  }
0x60: {  	[sflag:s18] =	ssyncadd.s32 $0xFFFFC000  }
0x61: {  	[hbm4b:s11+s4] =	stream.linear.scatter [tilespmem:s17], [sflag:$0x2], $0x4000, $0x38;
	[tilespmem:$0x18100] =	vst v63  }
0x62: {  	_ =	swait.ge [sflag:s18], $0x4000  }
0x63: {  	[sflag:s18] =	ssyncset.done $0x0  }
0x64: {  	[sflag:s18] =	ssyncadd.s32 $0xFFFFC000  }
0x65: {  	[tilespmem:s17], [sflag:$0x2] =	stream.linear.gather [spmem:s7], $0x4000, $0x38;
	[tilespmem:$0x18100] =	vst v63  }
0x66: {  	_ =	swait.ge [sflag:s18], $0x4000  }
0x67: {  	[sflag:s18] =	ssyncset.done $0x0  }
0x68: {  	[sflag:s18] =	ssyncadd.s32 $0xFFFFC000  }
0x69: {  	[hbm4b:s12+s4] =	stream.linear.scatter [tilespmem:s17], [sflag:$0x2], $0x4000, $0x38;
	[tilespmem:$0x18100] =	vst v63  }
0x6a: {  	_ =	swait.ge [sflag:s18], $0x4000  }
0x6b: {  	[sflag:s18] =	ssyncset.done $0x0  }
0x6c: {  	[sflag:s18] =	ssyncadd.s32 $0xFFFFC000  }
0x6d: {  	[tilespmem:s17], [sflag:$0x2] =	stream.linear.gather [spmem:s8], $0x4000, $0x38;
	[tilespmem:$0x18100] =	vst v63  }
0x6e: {  	_ =	swait.ge [sflag:s18], $0x4000  }
0x6f: {  	[sflag:s18] =	ssyncset.done $0x0  }
0x70: {  	[sflag:s18] =	ssyncadd.s32 $0xFFFFC000  }
0x71: {  	[hbm4b:s13+s4] =	stream.linear.scatter [tilespmem:s17], [sflag:$0x2], $0x4000, $0x38;
	[tilespmem:$0x18100] =	vst v63  }
0x72: {  	_ =	swait.ge [sflag:s18], $0x4000  }
0x73: {  	[sflag:s18] =	ssyncset.done $0x0  }
0x74: {  	[sflag:s18] =	ssyncadd.s32 $0xFFFFC000  }
0x75: {  	[tilespmem:s17], [sflag:$0x2] =	stream.linear.gather [spmem:s9], $0x4000, $0x38;
	[tilespmem:$0x18100] =	vst v63  }
0x76: {  	_ =	swait.ge [sflag:s18], $0x4000  }
0x77: {  	[sflag:s18] =	ssyncset.done $0x0  }
0x78: {  	[sflag:s18] =	ssyncadd.s32 $0xFFFFC000  }
0x79: {  	[hbm4b:s14+s4] =	stream.linear.scatter [tilespmem:s17], [sflag:$0x2], $0x4000, $0x38;
	[tilespmem:$0x18100] =	vst v63  }
0x7a: {  	_ =	swait.ge [sflag:s18], $0x4000  }
0x7b: {  	[sflag:s18] =	ssyncset.done $0x0  }
0x7c: {  	[sflag:s18] =	ssyncadd.s32 $0xFFFFC000  }
0x7d: {  	[tilespmem:s17], [sflag:$0x2] =	stream.linear.gather [spmem:s10], $0x4000, $0x38;
	[tilespmem:$0x18100] =	vst v63  }
0x7e: {  	s21 =	sadd.s32 $0x1, s21;
	_ =	swait.ge [sflag:s18], $0x4000  }
0x7f: {  	p0 =	sne.s32 s21, s6;
	[sflag:s18] =	ssyncset.done $0x0  }
.Ltmp2:
0x80: {  	[sflag:s18] =	ssyncadd.s32 $0xFFFFC000;
	(pc) =	sbr.rel @p0 .LBB2_1-.Ltmp2, $4  }
0x81: {  	[hbm4b:s15+s4] =	stream.linear.scatter [tilespmem:s17], [sflag:$0x2], $0x4000, $0x38;
	[tilespmem:$0x18100] =	vst v63  }
0x82: {  	_ =	swait.ge [sflag:s18], $0x4000  }
0x83: {  	[sflag:s18] =	ssyncset.done $0x0  }
0x84: {  	[sflag:s18] =	ssyncadd.s32 $0xFFFFC000  }
0x85: {  	_ =	sfence.sel $0x180000  }
0x86: {  	[bflag:$0x0] =	sbarrier.arrive $0xFFFF  }
0x87: {  	p0 =	sne.s32 s1, $0x0;
	_ =	strace $0x90000047  }
0x88: {  	s0 =	sadd.s32 @!p0 $0x100000, s0;
	[bflag:$0x2] =	sbarrier.arrive $0xFFFF  }
0x89: {  	[sflag:s0] =	ssyncadd.tile.s32 @!p0 $0x1;
	_ =	shalt  }
.Lfunc_end2:
_tile_overlayer_lowered:
.L_overlay_start_2:
0x8a: {  	(tag) =	ssettag $0x2  }
0x8b: {  	s0 =	rddreg [dreg:$0x0];
	s2 =	stileid.u32  }
0x8c: {  	s1 =	rddreg [dreg:$0x1];
	p0 =	sne.s32 s2, $0x0  }
0x8d: {  	s3 =	rddreg [dreg:$0x2];
	[bflag:$0x3] =	sbarrier.arrive $0xFFFF;
	s2 =	simm.s32 @!p0 $0x1C02  }
0x8e: {  	[timem:s3], [sflag:s2] =	dma.local @!p0 [hbm:s0], s1  }
0x8f: {  	s0 =	simm.s32 @!p0 $0x2  }
0x90: {  	_ =	swait.ge @!p0 [sflag:s0], s1  }
0x91: {  	s1 =	ssub.s32 @!p0 $0x0, s1;
	[sflag:s0] =	ssyncset.done @!p0 $0x0  }
0x92: {  	[sflag:s0] =	ssyncadd.s32 @!p0 s1  }
0x93: {  	[bflag:$0x3] =	sbarrier.arrive $0xFFFF  }
0x94: {  	_ =	shalt  }

// kernel: kernel.14.cloned.1.call-start
scs
__scs_entry_jumppad:
0x0: {  	(pc) =	sbr.rel $0x88, $3  }
0x1: {  	(tag) =	ssettag $0x0;
	lr =	simm.s32 $0x1  }
0x2: {  	[smem:$0x3F97] =	sst lr;
	_ =	strace $0xD0000000  }
0x3: {  	_ = 	snop  }
0x4: {  	_ = 	snop  }
0x5: {  	_ = 	snop  }
0x6: {  	_ = 	snop  }
0x7: {  	_ = 	snop  }
__scs_overlays_trampoline_lowered:
0x8: {  	[smem:$0x3FA6] =	sst s0  }
0x9: {  	[smem:$0x3FA7] =	sst s1  }
0xa: {  	[smem:$0x3FA8] =	sst s2  }
0xb: {  	[smem:$0x3FA9] =	sst s3  }
0xc: {  	[smem:$0x3FAA] =	sst s4  }
0xd: {  	[smem:$0x3FAB] =	sst s5  }
0xe: {  	[smem:$0x3FAC] =	sst s6  }
0xf: {  	[smem:$0x3FAD] =	sst s7  }
0x10: {  	[smem:$0x3FAE] =	sst s8  }
0x11: {  	[smem:$0x3FAF] =	sst s9;
	s0 =	simm.s32 @!p0 $0x0  }
0x12: {  	s1 =	sld [smem:$0x3F95];
	s0 =	simm.s32 @p0 $0x1  }
0x13: {  	[smem:$0x3FB0] =	sst s0;
	s0 =	simm.s32 @!p1 $0x0  }
0x14: {  	s2 =	sld [smem:$0x3F94];
	s0 =	simm.s32 @p1 $0x1  }
0x15: {  	[smem:$0x3FB1] =	sst s0;
	s0 =	simm.s32 @!p2 $0x0  }
0x16: {  	s3 =	sld [smem:$0x3FDB];
	s0 =	simm.s32 @p2 $0x1  }
0x17: {  	s4 =	simm.s32 $0x1BF5;
	[smem:$0x3FB3] =	sst s0  }
0x18: {  	s0 =	sld [smem:$0x3F96];
	_ =	swait.ge [sflag:s4], $0x0  }
0x19: {  	s7 =	sld [smem:$0x3F97]  }
0x1a: {  	s8 =	sadd.s32 $0xFFFFE003, lr  }
0x1b: {  	s9 =	sadd.s32 $0xFFFFFEF7, lr;
	s5 =	simm.s32 $0xFFFFFFFF;
	p2 =	slt.u32 s8, $0xFFFFF086  }
0x1c: {  	p1 =	slt.u32 s9, $0xF7A;
	s5 =	simm.s32 @!p2 $0x0  }
0x1d: {  	s5 =	simm.s32 @p1 $0x1;
	p0 =	seq.s32 s7, s2  }
0x1e: {  	s7 =	smul.u32 @!p0 $0xF7A, s2;
	p2 =	seq.s32 @!p0 s5, $0x0  }
0x1f: {  	s9 =	smul.u32 $0xF7A, s1;
	s8 =	simm.s32 @!p0 $0x1BF5;
	p2 =	por !p2, p0  }
0x20: {  	[sflag:s8] =	ssyncset.s32 @!p0 $0xFFFFF086;
	s6 =	sadd.s32 @!p0 s3, s7;
	s7 =	simm.s32 @!p0 $0x108  }
0x21: {  	s3 =	sadd.s32 s3, s9;
	s6 =	sadd.s32 @!p0 $0x88, s6;
	s7 =	simm.s32 @p2 $0x1082  }
0x22: {  	[simem:s7], [sflag:s8] =	dma.local @!p0 [hbm:s6], $0xF7A  }
0x23: {  	s9 =	sor.u32 $0xD0000000, s2;
	s6 =	simm.s32 $0x108;
	_ =	swait.ge @!p0 [sflag:s8], $0x0  }
0x24: {  	s3 =	sadd.s32 $0x88, s3;
	s6 =	simm.s32 @!p1 $0x1082;
	[sflag:s4] =	ssyncset.s32 $0xFFFFF086  }
0x25: {  	[simem:s6], [sflag:s4] =	dma.local [hbm:s3], $0xF7A  }
0x26: {  	[smem:$0x3F97] =	sst s1;
	(tag) =	ssettag s2;
	_ =	strace s9  }
0x27: {  	s1 =	sld [smem:$0x3FA7]  }
0x28: {  	s2 =	sld [smem:$0x3FA8]  }
0x29: {  	s4 =	sld [smem:$0x3FAA]  }
0x2a: {  	p0 =	seq.s32 s5, $0x0;
	s5 =	sld [smem:$0x3FAB]  }
0x2b: {  	s6 =	sld [smem:$0x3FAC]  }
0x2c: {  	s7 =	sld [smem:$0x3FAD]  }
0x2d: {  	s3 =	simm.s32 $0x108;
	s8 =	sld [smem:$0x3FAE]  }
0x2e: {  	s3 =	simm.s32 @!p0 $0x1082;
	s9 =	sld [smem:$0x3FAF]  }
0x2f: {  	lr =	sadd.s32 s0, s3;
	s0 =	sld [smem:$0x3FA6]  }
0x30: {  	s3 =	sld [smem:$0x3FA9]  }
0x31: {  	[smem:$0x3FB2] =	sst s10  }
0x32: {  	s10 =	sld [smem:$0x3FB0];
	_ =	sdelay $0x3  }
0x33: {  	p0 =	seq.s32 s10, $0x1;
	s10 =	sld [smem:$0x3FB2];
	_ =	sdelay $0x3  }
0x34: {  	[smem:$0x3FB2] =	sst s10  }
0x35: {  	s10 =	sld [smem:$0x3FB1];
	_ =	sdelay $0x3  }
0x36: {  	p1 =	seq.s32 s10, $0x1;
	s10 =	sld [smem:$0x3FB2];
	_ =	sdelay $0x3  }
0x37: {  	[smem:$0x3FB2] =	sst s10  }
0x38: {  	s10 =	sld [smem:$0x3FB3]  }
0x39: {  	_ = 	snop;
	(pc) =	sbr.ind lr, $3  }
0x3a: {  	_ = 	snop  }
0x3b: {  	_ = 	snop  }
0x3c: {  	p2 =	seq.s32 s10, $0x1;
	s10 =	sld [smem:$0x3FB2]  }
0x3d: {  	_ =	shalt  }
0x3e: {  	_ =	shalt  }
0x3f: {  	_ =	shalt  }
0x40: {  	_ =	shalt  }
0x41: {  	_ =	shalt  }
0x42: {  	_ =	shalt  }
0x43: {  	_ =	shalt  }
0x44: {  	_ =	shalt  }
0x45: {  	_ =	shalt  }
0x46: {  	_ =	shalt  }
0x47: {  	_ =	shalt  }
0x48: {  	_ =	shalt  }
0x49: {  	_ =	shalt  }
0x4a: {  	_ =	shalt  }
0x4b: {  	_ =	shalt  }
0x4c: {  	_ =	shalt  }
0x4d: {  	_ =	shalt  }
0x4e: {  	_ =	shalt  }
0x4f: {  	_ =	shalt  }
0x50: {  	_ =	shalt  }
0x51: {  	_ =	shalt  }
0x52: {  	_ =	shalt  }
0x53: {  	_ =	shalt  }
0x54: {  	_ =	shalt  }
0x55: {  	_ =	shalt  }
0x56: {  	_ =	shalt  }
0x57: {  	_ =	shalt  }
0x58: {  	_ =	shalt  }
0x59: {  	_ =	shalt  }
0x5a: {  	_ =	shalt  }
0x5b: {  	_ =	shalt  }
0x5c: {  	_ =	shalt  }
0x5d: {  	_ =	shalt  }
0x5e: {  	_ =	shalt  }
0x5f: {  	_ =	shalt  }
0x60: {  	_ =	shalt  }
0x61: {  	_ =	shalt  }
0x62: {  	_ =	shalt  }
0x63: {  	_ =	shalt  }
0x64: {  	_ =	shalt  }
0x65: {  	_ =	shalt  }
0x66: {  	_ =	shalt  }
0x67: {  	_ =	shalt  }
0x68: {  	_ =	shalt  }
0x69: {  	_ =	shalt  }
0x6a: {  	_ =	shalt  }
0x6b: {  	_ =	shalt  }
0x6c: {  	_ =	shalt  }
0x6d: {  	_ =	shalt  }
0x6e: {  	_ =	shalt  }
0x6f: {  	_ =	shalt  }
0x70: {  	_ =	shalt  }
0x71: {  	_ =	shalt  }
0x72: {  	_ =	shalt  }
0x73: {  	_ =	shalt  }
0x74: {  	_ =	shalt  }
0x75: {  	_ =	shalt  }
0x76: {  	_ =	shalt  }
0x77: {  	_ =	shalt  }
0x78: {  	_ =	shalt  }
0x79: {  	_ =	shalt  }
0x7a: {  	_ =	shalt  }
0x7b: {  	_ =	shalt  }
0x7c: {  	_ =	shalt  }
0x7d: {  	_ =	shalt  }
0x7e: {  	_ =	shalt  }
0x7f: {  	_ =	shalt  }
0x80: {  	_ =	shalt  }
0x81: {  	_ =	shalt  }
0x82: {  	_ =	shalt  }
0x83: {  	_ =	shalt  }
0x84: {  	_ =	shalt  }
0x85: {  	_ =	shalt  }
0x86: {  	_ =	shalt  }
0x87: {  	_ =	shalt  }
.Lfunc_end0:
.L_simem_size_0:
called_computation.2_lowered:
.L_overlay_start_0:
0x88: {  	s2 =	sld [smem:$0x3FD9]  }
0x89: {  	s3 =	sld [smem:$0x3FFE];
	_ =	sdelay $0x1  }
0x8a: {  	s1 =	srdreg.scid  }
0x8b: {  	s0 =	sand.u32 $0x1, s1  }
0x8c: {  	s17 =	sshll.u32 s0, $0xA;
	s2 =	sadd.s32 s3, s2  }
0x8d: {  	s2 =	sadd.s32 s2, s17  }
0x8e: {  	[smem:$0x3FBE] =	sst s2  }
0x8f: {  	_ = 	snop  }
0x90: {  	s2 =	sld [smem:$0x3FD0];
	(tm) =	ssettm $0x1  }
0x91: {  	s18 =	sld [smem:$0x3FFB];
	_ =	sdelay $0x3  }
0x92: {  	_ =	strace s18  }
0x93: {  	s3 =	sld [smem:$0x3FFC];
	_ =	sdelay $0x3  }
0x94: {  	_ =	strace s3  }
0x95: {  	s3 =	sld [smem:$0x3FFD];
	_ =	sdelay $0x3  }
0x96: {  	_ =	strace s3  }
0x97: {  	_ =	strace $0x8FFFFFFF  }
0x98: {  	s19 =	sld [smem:$0x3FDB];
	_ =	sdelay $0x1  }
0x99: {  	s4 =	simm.s32 $_scs_section_size  }
0x9a: {  	s5 =	simm.s32 $_size__tile_overlayer_lowered;
	s6 =	simm.s32 $_tile_overlayer_lowered  }
0x9b: {  	s22 =	simm.s32 $0x1BFF;
	s21 =	sshll.u32 s6, $0x1;
	s3 =	sadd.s32 s4, s19  }
0x9c: {  	s7 =	simm.s32 $0x0;
	s20 =	sshll.u32 s5, $0x1;
	s5 =	sadd.s32 s21, s3  }
0x9d: {  	[timem:s7], [sflag:s22] =	dma.local [hbm:s5], s20  }
0x9e: {  	_ =	swait.ge [sflag:s22], s20  }
0x9f: {  	s4 =	ssub.s32 $0x0, s20;
	[sflag:s22] =	ssyncset.done $0x0  }
0xa0: {  	[sflag:s22] =	ssyncadd.s32 s4;
	_ =	sdelay $0x1  }
0xa1: {  	s23 =	simm.s32 $0x1B8B  }
0xa2: {  	_ =	swait.ge [sflag:s23], $0x1  }
0xa3: {  	[sflag:s23] =	ssyncset.done $0x0  }
0xa4: {  	s25 =	simm.s32 $0x1B8E;
	s24 =	sld [smem:$0x3FFE];
	[sflag:s23] =	ssyncadd.s32 $0xFFFFFFFF  }
0xa5: {  	s26 =	simm.s32 $execute0_lowered;
	[smem:$0x3FD2] =	sst s25  }
0xa6: {  	s5 =	sshll.u32 s26, $0x1;
	_ =	strace $0x8000004C;
	[dreg:$0x1] =	wrdreg $0xFFFFFFFF  }
0xa7: {  	s28 =	simm.s32 $_size_execute0_lowered;
	s3 =	sadd.s32 s3, s5;
	[dreg:$0x0] =	wrdreg $0x0  }
0xa8: {  	s5 =	sshll.u32 s28, $0x1;
	[dreg:$0x2] =	wrdreg s3  }
0xa9: {  	[dreg:$0x3] =	wrdreg s5  }
0xaa: {  	[dreg:$0x4] =	wrdreg $0xC0  }
0xab: {  	_ =	task [dreg:s7], $0x5FFFF  }
0xac: {  	[dreg:$0x1] =	wrdreg $0xFFFFFFFF  }
0xad: {  	[dreg:$0x0] =	wrdreg $0x60  }
0xae: {  	[dreg:$0x2] =	wrdreg s2  }
0xaf: {  	[dreg:$0x3] =	wrdreg s24  }
0xb0: {  	[dreg:$0x4] =	wrdreg $0x41000  }
0xb1: {  	[dreg:$0x5] =	wrdreg $0x9  }
0xb2: {  	_ =	task.clear_ibuf [dreg:s7], $0x6FFFF;
	_ =	strace $0x9000004C  }
0xb3: {  	s29 =	simm.s32 $0x9;
	_ =	strace $0x8000004E  }
0xb4: {  	_ =	swait.ge [sflag:s29], $0x1  }
0xb5: {  	[sflag:s29] =	ssyncadd.s32 $0xFFFFFFFF  }
0xb6: {  	_ =	strace $0x9000004E  }
0xb7: {  	_ =	sfence  }
0xb8: {  	s30 =	sld [smem:$0x0];
	_ =	sdelay $0x2  }
0xb9: {  	s31 =	sshll.u32 s1, $0xD;
	s1 =	sshrl.u32 s1, $0x2  }
0xba: {  	s3 =	sand.u32 $0x4000, s31;
	s1 =	sadd.s32 s1, s30  }
0xbb: {  	s0 =	sor.u32 s3, s0;
	s1 =	sshll.u32 s1, $0x11  }
0xbc: {  	s0 =	sor.u32 s1, s0  }
0xbd: {  	s0 =	sadd.s32 $0x8F2B, s0  }
0xbe: {  	[sflag:s0] =	ssyncadd.remote.s32 $0x1  }
0xbf: {  	_ =	sfence.sel $0xFFFF  }
0xc0: {  	[dreg:$0x0] =	wrdreg $0xFFFFFFFF;
	(pc) =	sbr.abs _section_cstart, $3  }
0xc1: {  	[dreg:$0x1] =	wrdreg $0xFFFFFFFF  }
0xc2: {  	_ =	task.clear_ibuf [dreg:s7], $0x2FFFF;
	_ =	strace $0x9FFFFFFF  }
0xc3: {  	(tm) =	ssettm $0x7FFFFFFF  }
tec
execute0_lowered:
.L_overlay_start_1:
0x0: {  	(tag) =	ssettag $0x1  }
0x1: {  	s2 =	rddreg [dreg:$0x0]  }
0x2: {  	s5 =	rddreg [dreg:$0x1]  }
0x3: {  	s3 =	rddreg [dreg:$0x2]  }
0x4: {  	s0 =	rddreg [dreg:$0x3];
	s1 =	stileid.u32  }
0x5: {  	s6 =	srdreg.scid;
	s4 =	simm.s32 $0x0;
	s18 =	simm.s32 $0x2  }
0x6: {  	s19 =	simm.s32 $0x80;
	s20 =	simm.s32 $0x1;
	s7 =	smul.u32 $0x280, s1  }
0x7: {  	s21 =	simm.s32 $0x0;
	s6 =	sand.u32 $0x1, s6;
	s10 =	smul.u32 $0x50000, s1  }
0x8: {  	[smem:$0x7FF] =	sst s4;
	s9 =	sshll.u32 s1, $0x6;
	s8 =	smul.u32 $0x2800, s6  }
0x9: {  	_ =	strace $0x8000004D;
	s16 =	sadd.s32 s9, s5;
	s29 =	ssub.s32 $0x2, s6  }
0xa: {  	s17 =	sshll.u32 s6, $0x5;
	s30 =	sshrl.u32 s29, $0x1;
	s10 =	sshrl.u32 s10, $0x2  }
0xb: {  	s16 =	sadd.s32 s17, s16;
	s17 =	simm.s32 $0x100;
	s7 =	sadd.s32 s7, s8  }
0xc: {  	s31 =	ssub.s32 s29, s30;
	s16 =	sadd.s32 $0x3000, s16;
	s7 =	sshll.u32 s7, $0x4  }
0xd: {  	s6 =	smax.u32 s31, $0x1;
	s15 =	sadd.s32 s7, s5;
	s5 =	sadd.s32 s10, s3  }
0xe: {  	s7 =	sadd.s32 $0x4000, s5;
	s8 =	sadd.s32 $0x8000, s5;
	s9 =	sadd.s32 $0xC000, s5  }
0xf: {  	s10 =	sadd.s32 $0x10000, s5;
	s11 =	sadd.s32 $0x16C00, s15;
	s12 =	sadd.s32 $0x17400, s15  }
0x10: {  	v0 =	vimm.f32 $0.0e+00;
	s13 =	sadd.s32 $0x17C00, s15;
	s14 =	sadd.s32 $0x18400, s15;
	s15 =	sadd.s32 $0x18C00, s15  }
.LBB2_1:
0x11: {  	s22 =	simm.s32 $0x0;
	s23 =	simm.s32 $0x200  }
.LBB2_2:
0x12: {  	p0 =	sne.s32 s23, $0xFE00;
	[tilespmem:s22+$0x170] =	vst v0  }
0x13: {  	[tilespmem:s22+$0x100] =	vst v0  }
0x14: {  	[tilespmem:s22+$0x110] =	vst v0  }
.Ltmp0:
0x15: {  	[tilespmem:s22+$0x120] =	vst v0;
	(pc) =	sbr.rel @p0 .LBB2_2-.Ltmp0, $4  }
0x16: {  	[tilespmem:s22+$0x130] =	vst v0  }
0x17: {  	[tilespmem:s22+$0x140] =	vst v0  }
0x18: {  	[tilespmem:s22+$0x150] =	vst v0  }
0x19: {  	[tilespmem:s22+$0x160] =	vst v0;
	s22 =	sshra.s32 s23, $0x2;
	s23 =	sadd.s32 $0x200, s23  }
0x1a: {  	[tilespmem:s22+$0x170] =	vst v0  }
0x1b: {  	[tilespmem:s22+$0x100] =	vst v0  }
0x1c: {  	[tilespmem:s22+$0x110] =	vst v0  }
0x1d: {  	[tilespmem:s22+$0x120] =	vst v0  }
0x1e: {  	[tilespmem:s22+$0x130] =	vst v0  }
0x1f: {  	[tilespmem:s22+$0x140] =	vst v0  }
0x20: {  	[tilespmem:s22+$0x150] =	vst v0  }
0x21: {  	[tilespmem:s22+$0x160] =	vst v0  }
0x22: {  	[spmem:s5] =	stream.linear.scatter [tilespmem:s17], [sflag:$0x2], $0x4000, $0x38;
	[tilespmem:$0x18100] =	vst v63  }
0x23: {  	_ =	swait.ge [sflag:s18], $0x4000  }
0x24: {  	[sflag:s18] =	ssyncset.done $0x0  }
0x25: {  	[sflag:s18] =	ssyncadd.s32 $0xFFFFC000  }
0x26: {  	[spmem:s7] =	stream.linear.scatter [tilespmem:s17], [sflag:$0x2], $0x4000, $0x38;
	[tilespmem:$0x18100] =	vst v63  }
0x27: {  	_ =	swait.ge [sflag:s18], $0x4000  }
0x28: {  	[sflag:s18] =	ssyncset.done $0x0  }
0x29: {  	[sflag:s18] =	ssyncadd.s32 $0xFFFFC000  }
0x2a: {  	[spmem:s8] =	stream.linear.scatter [tilespmem:s17], [sflag:$0x2], $0x4000, $0x38;
	[tilespmem:$0x18100] =	vst v63  }
0x2b: {  	_ =	swait.ge [sflag:s18], $0x4000  }
0x2c: {  	[sflag:s18] =	ssyncset.done $0x0  }
0x2d: {  	[sflag:s18] =	ssyncadd.s32 $0xFFFFC000  }
0x2e: {  	[spmem:s9] =	stream.linear.scatter [tilespmem:s17], [sflag:$0x2], $0x4000, $0x38;
	[tilespmem:$0x18100] =	vst v63  }
0x2f: {  	_ =	swait.ge [sflag:s18], $0x4000  }
0x30: {  	[sflag:s18] =	ssyncset.done $0x0  }
0x31: {  	[sflag:s18] =	ssyncadd.s32 $0xFFFFC000  }
0x32: {  	[spmem:s10] =	stream.linear.scatter [tilespmem:s17], [sflag:$0x2], $0x4000, $0x38;
	[tilespmem:$0x18100] =	vst v63  }
0x33: {  	_ =	swait.ge [sflag:s18], $0x4000  }
0x34: {  	[sflag:s18] =	ssyncset.done $0x0  }
0x35: {  	[sflag:s18] =	ssyncadd.s32 $0xFFFFC000  }
0x36: {  	s31 =	sadd.s32 $0x0, s16;
	[bflag:$0x0] =	sbarrier.arrive $0xFFFF  }
0x37: {  	[tilespmem:s4], [sflag:$0x2] =	stream.linear.gather [hbm4b:s31+s4], $0x100, $0x38;
	[tilespmem:$0x18100] =	vst v63  }
0x38: {  	_ =	swait.ge [sflag:s18], $0x100  }
0x39: {  	[sflag:s18] =	ssyncset.done $0x0  }
0x3a: {  	[sflag:s18] =	ssyncadd.s32 $0xFFFFFF00  }
0x3b: {  	[tilespmem:s17], [sflag:$0x1] =	stream.indirect.gather [hbm4b:s2+s19], $0x80, s4, s19, $0xb8;
	[tilespmem:$0x18100] =	vst v63  }
0x3c: {  	_ =	swait.ge [sflag:s20], $0x4000  }
0x3d: {  	[sflag:s20] =	ssyncset.done $0x0  }
0x3e: {  	[sflag:s20] =	ssyncadd.s32 $0xFFFFC000  }
0x3f: {  	[spmem:s3] =	stream.indirect.scatter.add.f32 [tilespmem:s17], [sflag:$0x2], $0x80, s19, s19, $0xb8;
	[tilespmem:$0x18100] =	vst v63  }
0x40: {  	_ =	swait.ge [sflag:s18], $0x4000  }
0x41: {  	s22 =	simm.s32 $0x400;
	s23 =	simm.s32 $0x800;
	[sflag:s18] =	ssyncset.done $0x0  }
.LBB2_4:
0x42: {  	s24 =	sadd.s32 s22, s16  }
0x43: {  	[sflag:s18] =	ssyncadd.s32 $0xFFFFC000;
	s22 =	smov.u32 s23;
	s25 =	sadd.s32 $0x400, s23  }
0x44: {  	[tilespmem:s4], [sflag:$0x2] =	stream.linear.gather [hbm4b:s24+s4], $0x100, $0x38;
	[tilespmem:$0x18100] =	vst v63  }
0x45: {  	p0 =	sne.s32 s23, $0x13800;
	_ =	swait.ge [sflag:s18], $0x100  }
0x46: {  	[sflag:s18] =	ssyncset.done $0x0  }
0x47: {  	[sflag:s18] =	ssyncadd.s32 $0xFFFFFF00  }
0x48: {  	[tilespmem:s17], [sflag:$0x1] =	stream.indirect.gather [hbm4b:s2+s19], $0x80, s4, s19, $0xb8;
	[tilespmem:$0x18100] =	vst v63  }
0x49: {  	_ =	swait.ge [sflag:s20], $0x4000  }
.Ltmp1:
0x4a: {  	[sflag:s20] =	ssyncset.done $0x0;
	(pc) =	sbr.rel @p0 .LBB2_4-.Ltmp1, $4  }
0x4b: {  	[sflag:s20] =	ssyncadd.s32 $0xFFFFC000  }
0x4c: {  	[spmem:s3] =	stream.indirect.scatter.add.f32 [tilespmem:s17], [sflag:$0x2], $0x80, s19, s19, $0xb8;
	[tilespmem:$0x18100] =	vst v63  }
0x4d: {  	_ =	swait.ge [sflag:s18], $0x4000  }
0x4e: {  	s23 =	smov.u32 s25;
	[sflag:s18] =	ssyncset.done $0x0  }
0x4f: {  	s22 =	sadd.s32 s22, s16;
	[sflag:s18] =	ssyncadd.s32 $0xFFFFC000  }
0x50: {  	[tilespmem:s4], [sflag:$0x2] =	stream.linear.gather [hbm4b:s22+s4], $0x100, $0x38;
	[tilespmem:$0x18100] =	vst v63  }
0x51: {  	_ =	swait.ge [sflag:s18], $0x100  }
0x52: {  	[sflag:s18] =	ssyncset.done $0x0  }
0x53: {  	[sflag:s18] =	ssyncadd.s32 $0xFFFFFF00  }
0x54: {  	[tilespmem:s17], [sflag:$0x1] =	stream.indirect.gather [hbm4b:s2+s19], $0x80, s4, s19, $0xb8;
	[tilespmem:$0x18100] =	vst v63  }
0x55: {  	_ =	swait.ge [sflag:s20], $0x4000  }
0x56: {  	[sflag:s20] =	ssyncset.done $0x0  }
0x57: {  	[sflag:s20] =	ssyncadd.s32 $0xFFFFC000  }
0x58: {  	[spmem:s3] =	stream.indirect.scatter.add.f32 [tilespmem:s17], [sflag:$0x2], $0x80, s19, s19, $0xb8;
	[tilespmem:$0x18100] =	vst v63  }
0x59: {  	_ =	swait.ge [sflag:s18], $0x4000  }
0x5a: {  	[sflag:s18] =	ssyncset.done $0x0  }
0x5b: {  	[sflag:s18] =	ssyncadd.s32 $0xFFFFC000  }
0x5c: {  	[bflag:$0x0] =	sbarrier.arrive $0xFFFF  }
0x5d: {  	[tilespmem:s17], [sflag:$0x2] =	stream.linear.gather [spmem:s5], $0x4000, $0x38;
	[tilespmem:$0x18100] =	vst v63  }
0x5e: {  	_ =	swait.ge [sflag:s18], $0x4000  }
0x5f: {  	[sflag:s18] =	ssyncset.done $0x0  }
0x60: {  	[sflag:s18] =	ssyncadd.s32 $0xFFFFC000  }
0x61: {  	[hbm4b:s11+s4] =	stream.linear.scatter [tilespmem:s17], [sflag:$0x2], $0x4000, $0x38;
	[tilespmem:$0x18100] =	vst v63  }
0x62: {  	_ =	swait.ge [sflag:s18], $0x4000  }
0x63: {  	[sflag:s18] =	ssyncset.done $0x0  }
0x64: {  	[sflag:s18] =	ssyncadd.s32 $0xFFFFC000  }
0x65: {  	[tilespmem:s17], [sflag:$0x2] =	stream.linear.gather [spmem:s7], $0x4000, $0x38;
	[tilespmem:$0x18100] =	vst v63  }
0x66: {  	_ =	swait.ge [sflag:s18], $0x4000  }
0x67: {  	[sflag:s18] =	ssyncset.done $0x0  }
0x68: {  	[sflag:s18] =	ssyncadd.s32 $0xFFFFC000  }
0x69: {  	[hbm4b:s12+s4] =	stream.linear.scatter [tilespmem:s17], [sflag:$0x2], $0x4000, $0x38;
	[tilespmem:$0x18100] =	vst v63  }
0x6a: {  	_ =	swait.ge [sflag:s18], $0x4000  }
0x6b: {  	[sflag:s18] =	ssyncset.done $0x0  }
0x6c: {  	[sflag:s18] =	ssyncadd.s32 $0xFFFFC000  }
0x6d: {  	[tilespmem:s17], [sflag:$0x2] =	stream.linear.gather [spmem:s8], $0x4000, $0x38;
	[tilespmem:$0x18100] =	vst v63  }
0x6e: {  	_ =	swait.ge [sflag:s18], $0x4000  }
0x6f: {  	[sflag:s18] =	ssyncset.done $0x0  }
0x70: {  	[sflag:s18] =	ssyncadd.s32 $0xFFFFC000  }
0x71: {  	[hbm4b:s13+s4] =	stream.linear.scatter [tilespmem:s17], [sflag:$0x2], $0x4000, $0x38;
	[tilespmem:$0x18100] =	vst v63  }
0x72: {  	_ =	swait.ge [sflag:s18], $0x4000  }
0x73: {  	[sflag:s18] =	ssyncset.done $0x0  }
0x74: {  	[sflag:s18] =	ssyncadd.s32 $0xFFFFC000  }
0x75: {  	[tilespmem:s17], [sflag:$0x2] =	stream.linear.gather [spmem:s9], $0x4000, $0x38;
	[tilespmem:$0x18100] =	vst v63  }
0x76: {  	_ =	swait.ge [sflag:s18], $0x4000  }
0x77: {  	[sflag:s18] =	ssyncset.done $0x0  }
0x78: {  	[sflag:s18] =	ssyncadd.s32 $0xFFFFC000  }
0x79: {  	[hbm4b:s14+s4] =	stream.linear.scatter [tilespmem:s17], [sflag:$0x2], $0x4000, $0x38;
	[tilespmem:$0x18100] =	vst v63  }
0x7a: {  	_ =	swait.ge [sflag:s18], $0x4000  }
0x7b: {  	[sflag:s18] =	ssyncset.done $0x0  }
0x7c: {  	[sflag:s18] =	ssyncadd.s32 $0xFFFFC000  }
0x7d: {  	[tilespmem:s17], [sflag:$0x2] =	stream.linear.gather [spmem:s10], $0x4000, $0x38;
	[tilespmem:$0x18100] =	vst v63  }
0x7e: {  	s21 =	sadd.s32 $0x1, s21;
	_ =	swait.ge [sflag:s18], $0x4000  }
0x7f: {  	p0 =	sne.s32 s21, s6;
	[sflag:s18] =	ssyncset.done $0x0  }
.Ltmp2:
0x80: {  	[sflag:s18] =	ssyncadd.s32 $0xFFFFC000;
	(pc) =	sbr.rel @p0 .LBB2_1-.Ltmp2, $4  }
0x81: {  	[hbm4b:s15+s4] =	stream.linear.scatter [tilespmem:s17], [sflag:$0x2], $0x4000, $0x38;
	[tilespmem:$0x18100] =	vst v63  }
0x82: {  	_ =	swait.ge [sflag:s18], $0x4000  }
0x83: {  	[sflag:s18] =	ssyncset.done $0x0  }
0x84: {  	[sflag:s18] =	ssyncadd.s32 $0xFFFFC000  }
0x85: {  	_ =	sfence.sel $0x180000  }
0x86: {  	[bflag:$0x0] =	sbarrier.arrive $0xFFFF  }
0x87: {  	p0 =	sne.s32 s1, $0x0;
	_ =	strace $0x9000004D  }
0x88: {  	s0 =	sadd.s32 @!p0 $0x100000, s0;
	[bflag:$0x2] =	sbarrier.arrive $0xFFFF  }
0x89: {  	[sflag:s0] =	ssyncadd.tile.s32 @!p0 $0x1;
	_ =	shalt  }
.Lfunc_end2:
_tile_overlayer_lowered:
.L_overlay_start_2:
0x8a: {  	(tag) =	ssettag $0x2  }
0x8b: {  	s0 =	rddreg [dreg:$0x0];
	s2 =	stileid.u32  }
0x8c: {  	s1 =	rddreg [dreg:$0x1];
	p0 =	sne.s32 s2, $0x0  }
0x8d: {  	s3 =	rddreg [dreg:$0x2];
	[bflag:$0x3] =	sbarrier.arrive $0xFFFF;
	s2 =	simm.s32 @!p0 $0x1C02  }
0x8e: {  	[timem:s3], [sflag:s2] =	dma.local @!p0 [hbm:s0], s1  }
0x8f: {  	s0 =	simm.s32 @!p0 $0x2  }
0x90: {  	_ =	swait.ge @!p0 [sflag:s0], s1  }
0x91: {  	s1 =	ssub.s32 @!p0 $0x0, s1;
	[sflag:s0] =	ssyncset.done @!p0 $0x0  }
0x92: {  	[sflag:s0] =	ssyncadd.s32 @!p0 s1  }
0x93: {  	[bflag:$0x3] =	sbarrier.arrive $0xFFFF  }
0x94: {  	_ =	shalt  }

// kernel: kernel.8.cloned.1.call-start
scs
__scs_entry_jumppad:
0x0: {  	(pc) =	sbr.rel $0x88, $3  }
0x1: {  	(tag) =	ssettag $0x0;
	lr =	simm.s32 $0x1  }
0x2: {  	[smem:$0x3F97] =	sst lr;
	_ =	strace $0xD0000000  }
0x3: {  	_ = 	snop  }
0x4: {  	_ = 	snop  }
0x5: {  	_ = 	snop  }
0x6: {  	_ = 	snop  }
0x7: {  	_ = 	snop  }
__scs_overlays_trampoline_lowered:
0x8: {  	[smem:$0x3FA6] =	sst s0  }
0x9: {  	[smem:$0x3FA7] =	sst s1  }
0xa: {  	[smem:$0x3FA8] =	sst s2  }
0xb: {  	[smem:$0x3FA9] =	sst s3  }
0xc: {  	[smem:$0x3FAA] =	sst s4  }
0xd: {  	[smem:$0x3FAB] =	sst s5  }
0xe: {  	[smem:$0x3FAC] =	sst s6  }
0xf: {  	[smem:$0x3FAD] =	sst s7  }
0x10: {  	[smem:$0x3FAE] =	sst s8  }
0x11: {  	[smem:$0x3FAF] =	sst s9;
	s0 =	simm.s32 @!p0 $0x0  }
0x12: {  	s1 =	sld [smem:$0x3F95];
	s0 =	simm.s32 @p0 $0x1  }
0x13: {  	[smem:$0x3FB0] =	sst s0;
	s0 =	simm.s32 @!p1 $0x0  }
0x14: {  	s2 =	sld [smem:$0x3F94];
	s0 =	simm.s32 @p1 $0x1  }
0x15: {  	[smem:$0x3FB1] =	sst s0;
	s0 =	simm.s32 @!p2 $0x0  }
0x16: {  	s3 =	sld [smem:$0x3FDB];
	s0 =	simm.s32 @p2 $0x1  }
0x17: {  	s4 =	simm.s32 $0x1BF5;
	[smem:$0x3FB3] =	sst s0  }
0x18: {  	s0 =	sld [smem:$0x3F96];
	_ =	swait.ge [sflag:s4], $0x0  }
0x19: {  	s7 =	sld [smem:$0x3F97]  }
0x1a: {  	s8 =	sadd.s32 $0xFFFFE003, lr  }
0x1b: {  	s9 =	sadd.s32 $0xFFFFFEF7, lr;
	s5 =	simm.s32 $0xFFFFFFFF;
	p2 =	slt.u32 s8, $0xFFFFF086  }
0x1c: {  	p1 =	slt.u32 s9, $0xF7A;
	s5 =	simm.s32 @!p2 $0x0  }
0x1d: {  	s5 =	simm.s32 @p1 $0x1;
	p0 =	seq.s32 s7, s2  }
0x1e: {  	s7 =	smul.u32 @!p0 $0xF7A, s2;
	p2 =	seq.s32 @!p0 s5, $0x0  }
0x1f: {  	s9 =	smul.u32 $0xF7A, s1;
	s8 =	simm.s32 @!p0 $0x1BF5;
	p2 =	por !p2, p0  }
0x20: {  	[sflag:s8] =	ssyncset.s32 @!p0 $0xFFFFF086;
	s6 =	sadd.s32 @!p0 s3, s7;
	s7 =	simm.s32 @!p0 $0x108  }
0x21: {  	s3 =	sadd.s32 s3, s9;
	s6 =	sadd.s32 @!p0 $0x88, s6;
	s7 =	simm.s32 @p2 $0x1082  }
0x22: {  	[simem:s7], [sflag:s8] =	dma.local @!p0 [hbm:s6], $0xF7A  }
0x23: {  	s9 =	sor.u32 $0xD0000000, s2;
	s6 =	simm.s32 $0x108;
	_ =	swait.ge @!p0 [sflag:s8], $0x0  }
0x24: {  	s3 =	sadd.s32 $0x88, s3;
	s6 =	simm.s32 @!p1 $0x1082;
	[sflag:s4] =	ssyncset.s32 $0xFFFFF086  }
0x25: {  	[simem:s6], [sflag:s4] =	dma.local [hbm:s3], $0xF7A  }
0x26: {  	[smem:$0x3F97] =	sst s1;
	(tag) =	ssettag s2;
	_ =	strace s9  }
0x27: {  	s1 =	sld [smem:$0x3FA7]  }
0x28: {  	s2 =	sld [smem:$0x3FA8]  }
0x29: {  	s4 =	sld [smem:$0x3FAA]  }
0x2a: {  	p0 =	seq.s32 s5, $0x0;
	s5 =	sld [smem:$0x3FAB]  }
0x2b: {  	s6 =	sld [smem:$0x3FAC]  }
0x2c: {  	s7 =	sld [smem:$0x3FAD]  }
0x2d: {  	s3 =	simm.s32 $0x108;
	s8 =	sld [smem:$0x3FAE]  }
0x2e: {  	s3 =	simm.s32 @!p0 $0x1082;
	s9 =	sld [smem:$0x3FAF]  }
0x2f: {  	lr =	sadd.s32 s0, s3;
	s0 =	sld [smem:$0x3FA6]  }
0x30: {  	s3 =	sld [smem:$0x3FA9]  }
0x31: {  	[smem:$0x3FB2] =	sst s10  }
0x32: {  	s10 =	sld [smem:$0x3FB0];
	_ =	sdelay $0x3  }
0x33: {  	p0 =	seq.s32 s10, $0x1;
	s10 =	sld [smem:$0x3FB2];
	_ =	sdelay $0x3  }
0x34: {  	[smem:$0x3FB2] =	sst s10  }
0x35: {  	s10 =	sld [smem:$0x3FB1];
	_ =	sdelay $0x3  }
0x36: {  	p1 =	seq.s32 s10, $0x1;
	s10 =	sld [smem:$0x3FB2];
	_ =	sdelay $0x3  }
0x37: {  	[smem:$0x3FB2] =	sst s10  }
0x38: {  	s10 =	sld [smem:$0x3FB3]  }
0x39: {  	_ = 	snop;
	(pc) =	sbr.ind lr, $3  }
0x3a: {  	_ = 	snop  }
0x3b: {  	_ = 	snop  }
0x3c: {  	p2 =	seq.s32 s10, $0x1;
	s10 =	sld [smem:$0x3FB2]  }
0x3d: {  	_ =	shalt  }
0x3e: {  	_ =	shalt  }
0x3f: {  	_ =	shalt  }
0x40: {  	_ =	shalt  }
0x41: {  	_ =	shalt  }
0x42: {  	_ =	shalt  }
0x43: {  	_ =	shalt  }
0x44: {  	_ =	shalt  }
0x45: {  	_ =	shalt  }
0x46: {  	_ =	shalt  }
0x47: {  	_ =	shalt  }
0x48: {  	_ =	shalt  }
0x49: {  	_ =	shalt  }
0x4a: {  	_ =	shalt  }
0x4b: {  	_ =	shalt  }
0x4c: {  	_ =	shalt  }
0x4d: {  	_ =	shalt  }
0x4e: {  	_ =	shalt  }
0x4f: {  	_ =	shalt  }
0x50: {  	_ =	shalt  }
0x51: {  	_ =	shalt  }
0x52: {  	_ =	shalt  }
0x53: {  	_ =	shalt  }
0x54: {  	_ =	shalt  }
0x55: {  	_ =	shalt  }
0x56: {  	_ =	shalt  }
0x57: {  	_ =	shalt  }
0x58: {  	_ =	shalt  }
0x59: {  	_ =	shalt  }
0x5a: {  	_ =	shalt  }
0x5b: {  	_ =	shalt  }
0x5c: {  	_ =	shalt  }
0x5d: {  	_ =	shalt  }
0x5e: {  	_ =	shalt  }
0x5f: {  	_ =	shalt  }
0x60: {  	_ =	shalt  }
0x61: {  	_ =	shalt  }
0x62: {  	_ =	shalt  }
0x63: {  	_ =	shalt  }
0x64: {  	_ =	shalt  }
0x65: {  	_ =	shalt  }
0x66: {  	_ =	shalt  }
0x67: {  	_ =	shalt  }
0x68: {  	_ =	shalt  }
0x69: {  	_ =	shalt  }
0x6a: {  	_ =	shalt  }
0x6b: {  	_ =	shalt  }
0x6c: {  	_ =	shalt  }
0x6d: {  	_ =	shalt  }
0x6e: {  	_ =	shalt  }
0x6f: {  	_ =	shalt  }
0x70: {  	_ =	shalt  }
0x71: {  	_ =	shalt  }
0x72: {  	_ =	shalt  }
0x73: {  	_ =	shalt  }
0x74: {  	_ =	shalt  }
0x75: {  	_ =	shalt  }
0x76: {  	_ =	shalt  }
0x77: {  	_ =	shalt  }
0x78: {  	_ =	shalt  }
0x79: {  	_ =	shalt  }
0x7a: {  	_ =	shalt  }
0x7b: {  	_ =	shalt  }
0x7c: {  	_ =	shalt  }
0x7d: {  	_ =	shalt  }
0x7e: {  	_ =	shalt  }
0x7f: {  	_ =	shalt  }
0x80: {  	_ =	shalt  }
0x81: {  	_ =	shalt  }
0x82: {  	_ =	shalt  }
0x83: {  	_ =	shalt  }
0x84: {  	_ =	shalt  }
0x85: {  	_ =	shalt  }
0x86: {  	_ =	shalt  }
0x87: {  	_ =	shalt  }
.Lfunc_end0:
.L_simem_size_0:
called_computation_lowered:
.L_overlay_start_0:
0x88: {  	s2 =	sld [smem:$0x3FD9]  }
0x89: {  	s3 =	sld [smem:$0x3FFE];
	_ =	sdelay $0x1  }
0x8a: {  	s1 =	srdreg.scid  }
0x8b: {  	s0 =	sand.u32 $0x1, s1  }
0x8c: {  	s17 =	sshll.u32 s0, $0xA;
	s2 =	sadd.s32 s3, s2  }
0x8d: {  	s2 =	sadd.s32 s2, s17  }
0x8e: {  	[smem:$0x3FBE] =	sst s2  }
0x8f: {  	_ = 	snop  }
0x90: {  	s18 =	sld [smem:$0x3FD0];
	(tm) =	ssettm $0x1  }
0x91: {  	s19 =	sld [smem:$0x3FFB];
	_ =	sdelay $0x3  }
0x92: {  	_ =	strace s19  }
0x93: {  	s2 =	sld [smem:$0x3FFC];
	_ =	sdelay $0x3  }
0x94: {  	_ =	strace s2  }
0x95: {  	s2 =	sld [smem:$0x3FFD];
	_ =	sdelay $0x3  }
0x96: {  	_ =	strace s2  }
0x97: {  	_ =	strace $0x8FFFFFFF  }
0x98: {  	s20 =	sld [smem:$0x3FDB];
	_ =	sdelay $0x1  }
0x99: {  	s4 =	simm.s32 $_scs_section_size  }
0x9a: {  	s5 =	simm.s32 $_size__tile_overlayer_lowered;
	s6 =	simm.s32 $_tile_overlayer_lowered  }
0x9b: {  	s7 =	simm.s32 $0x1BFF;
	s21 =	sshll.u32 s6, $0x1;
	s4 =	sadd.s32 s4, s20  }
0x9c: {  	s22 =	simm.s32 $0x0;
	s5 =	sshll.u32 s5, $0x1;
	s6 =	sadd.s32 s21, s4  }
0x9d: {  	[timem:s22], [sflag:s7] =	dma.local [hbm:s6], s5  }
0x9e: {  	_ =	swait.ge [sflag:s7], s5  }
0x9f: {  	s5 =	ssub.s32 $0x0, s5;
	[sflag:s7] =	ssyncset.done $0x0  }
0xa0: {  	[sflag:s7] =	ssyncadd.s32 s5;
	_ =	sdelay $0x1  }
0xa1: {  	s23 =	simm.s32 $0x1B8B  }
0xa2: {  	_ =	swait.ge [sflag:s23], $0x1  }
0xa3: {  	[sflag:s23] =	ssyncset.done $0x0  }
0xa4: {  	[sflag:s23] =	ssyncadd.s32 $0xFFFFFFFF  }
0xa5: {  	s5 =	sld [smem:$0x0]  }
0xa6: {  	s6 =	sand.u32 $0xFFFFFFFE, s1  }
0xa7: {  	p0 =	sne.s32 s1, s6  }
0xa8: {  	s6 =	sshll.u32 @p0 s6, $0xE  }
0xa9: {  	s6 =	sadd.s32 @p0 $0x11B8D, s6;
	s7 =	sshll.u32 @p0 s5, $0x11  }
0xaa: {  	s6 =	sor.u32 @p0 s7, s6  }
0xab: {  	[sflag:s6] =	ssyncadd.remote.s32 @p0 $0x1;
	_ =	sdelay $0x1  }
0xac: {  	s6 =	simm.s32 @p0 $0x1B8D  }
0xad: {  	_ =	swait.eq @p0 [sflag:s6], $0x1  }
0xae: {  	[sflag:s6] =	ssyncadd.s32 @p0 $0xFFFFFFFF  }
0xaf: {  	s7 =	sshll.u32 @!p0 s1, $0xE  }
0xb0: {  	s7 =	sor.u32 @!p0 $0x4000, s7;
	s6 =	simm.s32 @!p0 $0x1B8D  }
0xb1: {  	s5 =	sshll.u32 @!p0 s5, $0x11;
	s7 =	sadd.s32 @!p0 $0x11B8D, s7;
	_ =	swait.eq @!p0 [sflag:s6], $0x1  }
0xb2: {  	s5 =	sor.u32 @!p0 s5, s7;
	[sflag:s6] =	ssyncadd.s32 @!p0 $0xFFFFFFFF  }
0xb3: {  	s25 =	simm.s32 $0x1B8E;
	s24 =	sld [smem:$0x3FFE];
	[sflag:s5] =	ssyncadd.remote.s32 @!p0 $0x1  }
0xb4: {  	s26 =	simm.s32 $execute0_lowered;
	[smem:$0x3FD2] =	sst s25  }
0xb5: {  	s6 =	sshll.u32 s26, $0x1;
	_ =	strace $0x80000049;
	[dreg:$0x1] =	wrdreg $0xFFFFFFFF  }
0xb6: {  	s28 =	simm.s32 $_size_execute0_lowered;
	s4 =	sadd.s32 s4, s6;
	[dreg:$0x0] =	wrdreg $0x0  }
0xb7: {  	s6 =	sshll.u32 s28, $0x1;
	[dreg:$0x2] =	wrdreg s4  }
0xb8: {  	[dreg:$0x3] =	wrdreg s6  }
0xb9: {  	[dreg:$0x4] =	wrdreg $0xC0  }
0xba: {  	_ =	task [dreg:s22], $0x5FFFF  }
0xbb: {  	[dreg:$0x1] =	wrdreg $0xFFFFFFFF  }
0xbc: {  	[dreg:$0x0] =	wrdreg $0x60  }
0xbd: {  	[dreg:$0x2] =	wrdreg s18  }
0xbe: {  	[dreg:$0x3] =	wrdreg s24  }
0xbf: {  	[dreg:$0x4] =	wrdreg $0x40800  }
0xc0: {  	[dreg:$0x5] =	wrdreg $0x9  }
0xc1: {  	_ =	task.clear_ibuf [dreg:s22], $0x6FFFF;
	_ =	strace $0x90000049  }
0xc2: {  	s29 =	simm.s32 $0x9;
	_ =	strace $0x8000004B  }
0xc3: {  	_ =	swait.ge [sflag:s29], $0x1  }
0xc4: {  	[sflag:s29] =	ssyncadd.s32 $0xFFFFFFFF  }
0xc5: {  	_ =	strace $0x9000004B  }
0xc6: {  	_ =	sfence  }
0xc7: {  	s30 =	sld [smem:$0x0];
	_ =	sdelay $0x2  }
0xc8: {  	s31 =	sshll.u32 s1, $0xD;
	s1 =	sshrl.u32 s1, $0x2  }
0xc9: {  	s4 =	sand.u32 $0x4000, s31;
	s1 =	sadd.s32 s1, s30  }
0xca: {  	s0 =	sor.u32 s4, s0;
	s1 =	sshll.u32 s1, $0x11  }
0xcb: {  	s0 =	sor.u32 s1, s0  }
0xcc: {  	s0 =	sadd.s32 $0x8F2B, s0  }
0xcd: {  	[sflag:s0] =	ssyncadd.remote.s32 $0x1  }
0xce: {  	_ =	sfence.sel $0xFFFF  }
0xcf: {  	[dreg:$0x0] =	wrdreg $0xFFFFFFFF;
	(pc) =	sbr.abs _section_cstart, $3  }
0xd0: {  	[dreg:$0x1] =	wrdreg $0xFFFFFFFF  }
0xd1: {  	_ =	task.clear_ibuf [dreg:s22], $0x2FFFF;
	_ =	strace $0x9FFFFFFF  }
0xd2: {  	(tm) =	ssettm $0x7FFFFFFF  }
0xd3: {  	_ =	shalt  }
tec
execute0_lowered:
.L_overlay_start_1:
0x0: {  	(tag) =	ssettag $0x1  }
0x1: {  	s13 =	rddreg [dreg:$0x0]  }
0x2: {  	s4 =	rddreg [dreg:$0x1];
	s1 =	srdreg.scid  }
0x3: {  	s0 =	stileid.u32;
	s2 =	rddreg [dreg:$0x2]  }
0x4: {  	s3 =	simm.s32 $0x0;
	s17 =	simm.s32 $0x1;
	s18 =	simm.s32 $0x0  }
0x5: {  	s5 =	sand.u32 $0x1, s1;
	s6 =	smul.u32 $0x280, s0;
	s1 =	rddreg [dreg:$0x3]  }
0x6: {  	[smem:$0x7FF] =	sst s3;
	s8 =	smul.u32 $0x50000, s0;
	s15 =	sshll.u32 s0, $0x5  }
0x7: {  	s7 =	smul.u32 $0x2800, s5;
	s29 =	ssub.s32 $0x2, s5;
	_ =	strace $0x8000004A  }
0x8: {  	s16 =	sshll.u32 s5, $0x4;
	s15 =	sadd.s32 s15, s13;
	s9 =	sshrl.u32 s29, $0x1  }
0x9: {  	s31 =	sshrl.u32 s8, $0x2;
	s15 =	sadd.s32 s16, s15;
	s6 =	sadd.s32 s6, s7  }
0xa: {  	s16 =	simm.s32 $0x80;
	s30 =	ssub.s32 s29, s9;
	s6 =	sshll.u32 s6, $0x4  }
0xb: {  	s5 =	smax.u32 s30, $0x1;
	s14 =	sadd.s32 s6, s4;
	s4 =	sadd.s32 s31, s2  }
0xc: {  	s6 =	sadd.s32 $0x4000, s4;
	s7 =	sadd.s32 $0x8000, s4;
	s8 =	sadd.s32 $0xC000, s4  }
0xd: {  	s9 =	sadd.s32 $0x10000, s4;
	s10 =	sadd.s32 $0x66C00, s14;
	s11 =	sadd.s32 $0x67400, s14  }
0xe: {  	v0 =	vimm.f32 $0.0e+00;
	v1 =	vimm.f32 $1.000000000e+00;
	s12 =	sadd.s32 $0x67C00, s14;
	s13 =	sadd.s32 $0x68400, s14;
	s14 =	sadd.s32 $0x68C00, s14  }
.LBB2_1:
0xf: {  	s19 =	simm.s32 $0x200;
	s20 =	simm.s32 $0x0  }
.LBB2_2:
0x10: {  	p0 =	sne.s32 s19, $0xFE00;
	[tilespmem:s20+$0x80] =	vst v0;
	s20 =	smov.u32 s19;
	s19 =	sadd.s32 $0x200, s19  }
.Ltmp0:
0x11: {  	(pc) =	sbr.rel @p0 .LBB2_2-.Ltmp0, $2  }
0x12: {  	_ =	sdelay $0x2  }
0x13: {  	s20 =	sshra.s32 s20, $0x2  }
0x14: {  	[tilespmem:s20+$0x80] =	vst v0  }
0x15: {  	[spmem:s4] =	stream.linear.scatter [tilespmem:s16], [sflag:$0x1], $0x4000, $0x38;
	[tilespmem:$0x6880] =	vst v63  }
0x16: {  	_ =	swait.ge [sflag:s17], $0x4000  }
0x17: {  	[sflag:s17] =	ssyncset.done $0x0  }
0x18: {  	[sflag:s17] =	ssyncadd.s32 $0xFFFFC000  }
0x19: {  	[spmem:s6] =	stream.linear.scatter [tilespmem:s16], [sflag:$0x1], $0x4000, $0x38;
	[tilespmem:$0x6880] =	vst v63  }
0x1a: {  	_ =	swait.ge [sflag:s17], $0x4000  }
0x1b: {  	[sflag:s17] =	ssyncset.done $0x0  }
0x1c: {  	[sflag:s17] =	ssyncadd.s32 $0xFFFFC000  }
0x1d: {  	[spmem:s7] =	stream.linear.scatter [tilespmem:s16], [sflag:$0x1], $0x4000, $0x38;
	[tilespmem:$0x6880] =	vst v63  }
0x1e: {  	_ =	swait.ge [sflag:s17], $0x4000  }
0x1f: {  	[sflag:s17] =	ssyncset.done $0x0  }
0x20: {  	[sflag:s17] =	ssyncadd.s32 $0xFFFFC000  }
0x21: {  	[spmem:s8] =	stream.linear.scatter [tilespmem:s16], [sflag:$0x1], $0x4000, $0x38;
	[tilespmem:$0x6880] =	vst v63  }
0x22: {  	_ =	swait.ge [sflag:s17], $0x4000  }
0x23: {  	[sflag:s17] =	ssyncset.done $0x0  }
0x24: {  	[sflag:s17] =	ssyncadd.s32 $0xFFFFC000  }
0x25: {  	[spmem:s9] =	stream.linear.scatter [tilespmem:s16], [sflag:$0x1], $0x4000, $0x38;
	[tilespmem:$0x6880] =	vst v63  }
0x26: {  	_ =	swait.ge [sflag:s17], $0x4000  }
0x27: {  	[sflag:s17] =	ssyncset.done $0x0  }
0x28: {  	s19 =	simm.s32 $0x200;
	s20 =	simm.s32 $0x0;
	[sflag:s17] =	ssyncadd.s32 $0xFFFFC000  }
.LBB2_4:
0x29: {  	p0 =	sne.s32 s19, $0xFE00;
	[tilespmem:s20+$0x80] =	vst v1;
	s20 =	smov.u32 s19;
	s19 =	sadd.s32 $0x200, s19  }
.Ltmp1:
0x2a: {  	(pc) =	sbr.rel @p0 .LBB2_4-.Ltmp1, $2  }
0x2b: {  	_ =	sdelay $0x2  }
0x2c: {  	s20 =	sshra.s32 s20, $0x2  }
0x2d: {  	[tilespmem:s20+$0x80] =	vst v1  }
0x2e: {  	s19 =	sadd.s32 $0x0, s15;
	[bflag:$0x0] =	sbarrier.arrive $0xFFFF  }
0x2f: {  	[tilespmem:s3], [sflag:$0x1] =	stream.linear.gather [hbm4b:s19+s3], $0x80, $0x38;
	[tilespmem:$0x6880] =	vst v63  }
0x30: {  	_ =	swait.ge [sflag:s17], $0x80  }
0x31: {  	[sflag:s17] =	ssyncset.done $0x0  }
0x32: {  	[sflag:s17] =	ssyncadd.s32 $0xFFFFFF80  }
0x33: {  	[spmem:s2] =	stream.indirect.scatter.add.f32 [tilespmem:s16], [sflag:$0x1], $0x10, s3, s16, $0xb8;
	[tilespmem:$0x6880] =	vst v63  }
0x34: {  	_ =	swait.ge [sflag:s17], $0x800  }
0x35: {  	s20 =	simm.s32 $0x400;
	s19 =	simm.s32 $0x200;
	[sflag:s17] =	ssyncset.done $0x0  }
.LBB2_6:
0x36: {  	s21 =	sadd.s32 s19, s15  }
0x37: {  	[sflag:s17] =	ssyncadd.s32 $0xFFFFF800;
	s19 =	smov.u32 s20;
	s22 =	sadd.s32 $0x200, s20  }
0x38: {  	[tilespmem:s3], [sflag:$0x1] =	stream.linear.gather [hbm4b:s21+s3], $0x80, $0x38;
	[tilespmem:$0x6880] =	vst v63  }
0x39: {  	p0 =	sne.s32 s20, $0x9C00;
	_ =	swait.ge [sflag:s17], $0x80  }
.Ltmp2:
0x3a: {  	[sflag:s17] =	ssyncset.done $0x0;
	(pc) =	sbr.rel @p0 .LBB2_6-.Ltmp2, $4  }
0x3b: {  	[sflag:s17] =	ssyncadd.s32 $0xFFFFFF80  }
0x3c: {  	[spmem:s2] =	stream.indirect.scatter.add.f32 [tilespmem:s16], [sflag:$0x1], $0x10, s3, s16, $0xb8;
	[tilespmem:$0x6880] =	vst v63  }
0x3d: {  	_ =	swait.ge [sflag:s17], $0x800  }
0x3e: {  	s20 =	smov.u32 s22;
	[sflag:s17] =	ssyncset.done $0x0  }
0x3f: {  	s19 =	sadd.s32 s19, s15;
	[sflag:s17] =	ssyncadd.s32 $0xFFFFF800  }
0x40: {  	[tilespmem:s3], [sflag:$0x1] =	stream.linear.gather [hbm4b:s19+s3], $0x80, $0x38;
	[tilespmem:$0x6880] =	vst v63  }
0x41: {  	_ =	swait.ge [sflag:s17], $0x80  }
0x42: {  	[sflag:s17] =	ssyncset.done $0x0  }
0x43: {  	[sflag:s17] =	ssyncadd.s32 $0xFFFFFF80  }
0x44: {  	[spmem:s2] =	stream.indirect.scatter.add.f32 [tilespmem:s16], [sflag:$0x1], $0x10, s3, s16, $0xb8;
	[tilespmem:$0x6880] =	vst v63  }
0x45: {  	_ =	swait.ge [sflag:s17], $0x800  }
0x46: {  	[sflag:s17] =	ssyncset.done $0x0  }
0x47: {  	[sflag:s17] =	ssyncadd.s32 $0xFFFFF800  }
0x48: {  	[bflag:$0x0] =	sbarrier.arrive $0xFFFF  }
0x49: {  	[tilespmem:s16], [sflag:$0x1] =	stream.linear.gather [spmem:s4], $0x4000, $0x38;
	[tilespmem:$0x6880] =	vst v63  }
0x4a: {  	_ =	swait.ge [sflag:s17], $0x4000  }
0x4b: {  	[sflag:s17] =	ssyncset.done $0x0  }
0x4c: {  	[sflag:s17] =	ssyncadd.s32 $0xFFFFC000  }
0x4d: {  	[hbm4b:s10+s3] =	stream.linear.scatter [tilespmem:s16], [sflag:$0x1], $0x4000, $0x38;
	[tilespmem:$0x6880] =	vst v63  }
0x4e: {  	_ =	swait.ge [sflag:s17], $0x4000  }
0x4f: {  	[sflag:s17] =	ssyncset.done $0x0  }
0x50: {  	[sflag:s17] =	ssyncadd.s32 $0xFFFFC000  }
0x51: {  	[tilespmem:s16], [sflag:$0x1] =	stream.linear.gather [spmem:s6], $0x4000, $0x38;
	[tilespmem:$0x6880] =	vst v63  }
0x52: {  	_ =	swait.ge [sflag:s17], $0x4000  }
0x53: {  	[sflag:s17] =	ssyncset.done $0x0  }
0x54: {  	[sflag:s17] =	ssyncadd.s32 $0xFFFFC000  }
0x55: {  	[hbm4b:s11+s3] =	stream.linear.scatter [tilespmem:s16], [sflag:$0x1], $0x4000, $0x38;
	[tilespmem:$0x6880] =	vst v63  }
0x56: {  	_ =	swait.ge [sflag:s17], $0x4000  }
0x57: {  	[sflag:s17] =	ssyncset.done $0x0  }
0x58: {  	[sflag:s17] =	ssyncadd.s32 $0xFFFFC000  }
0x59: {  	[tilespmem:s16], [sflag:$0x1] =	stream.linear.gather [spmem:s7], $0x4000, $0x38;
	[tilespmem:$0x6880] =	vst v63  }
0x5a: {  	_ =	swait.ge [sflag:s17], $0x4000  }
0x5b: {  	[sflag:s17] =	ssyncset.done $0x0  }
0x5c: {  	[sflag:s17] =	ssyncadd.s32 $0xFFFFC000  }
0x5d: {  	[hbm4b:s12+s3] =	stream.linear.scatter [tilespmem:s16], [sflag:$0x1], $0x4000, $0x38;
	[tilespmem:$0x6880] =	vst v63  }
0x5e: {  	_ =	swait.ge [sflag:s17], $0x4000  }
0x5f: {  	[sflag:s17] =	ssyncset.done $0x0  }
0x60: {  	[sflag:s17] =	ssyncadd.s32 $0xFFFFC000  }
0x61: {  	[tilespmem:s16], [sflag:$0x1] =	stream.linear.gather [spmem:s8], $0x4000, $0x38;
	[tilespmem:$0x6880] =	vst v63  }
0x62: {  	_ =	swait.ge [sflag:s17], $0x4000  }
0x63: {  	[sflag:s17] =	ssyncset.done $0x0  }
0x64: {  	[sflag:s17] =	ssyncadd.s32 $0xFFFFC000  }
0x65: {  	[hbm4b:s13+s3] =	stream.linear.scatter [tilespmem:s16], [sflag:$0x1], $0x4000, $0x38;
	[tilespmem:$0x6880] =	vst v63  }
0x66: {  	_ =	swait.ge [sflag:s17], $0x4000  }
0x67: {  	[sflag:s17] =	ssyncset.done $0x0  }
0x68: {  	[sflag:s17] =	ssyncadd.s32 $0xFFFFC000  }
0x69: {  	[tilespmem:s16], [sflag:$0x1] =	stream.linear.gather [spmem:s9], $0x4000, $0x38;
	[tilespmem:$0x6880] =	vst v63  }
0x6a: {  	s18 =	sadd.s32 $0x1, s18;
	_ =	swait.ge [sflag:s17], $0x4000  }
0x6b: {  	p0 =	sne.s32 s18, s5;
	[sflag:s17] =	ssyncset.done $0x0  }
.Ltmp3:
0x6c: {  	[sflag:s17] =	ssyncadd.s32 $0xFFFFC000;
	(pc) =	sbr.rel @p0 .LBB2_1-.Ltmp3, $4  }
0x6d: {  	[hbm4b:s14+s3] =	stream.linear.scatter [tilespmem:s16], [sflag:$0x1], $0x4000, $0x38;
	[tilespmem:$0x6880] =	vst v63  }
0x6e: {  	_ =	swait.ge [sflag:s17], $0x4000  }
0x6f: {  	[sflag:s17] =	ssyncset.done $0x0  }
0x70: {  	[sflag:s17] =	ssyncadd.s32 $0xFFFFC000  }
0x71: {  	_ =	sfence.sel $0x180000  }
0x72: {  	[bflag:$0x0] =	sbarrier.arrive $0xFFFF  }
0x73: {  	p0 =	sne.s32 s0, $0x0;
	_ =	strace $0x9000004A  }
0x74: {  	s0 =	sadd.s32 @!p0 $0x100000, s1;
	[bflag:$0x2] =	sbarrier.arrive $0xFFFF  }
0x75: {  	[sflag:s0] =	ssyncadd.tile.s32 @!p0 $0x1;
	_ =	shalt  }
.Lfunc_end2:
_tile_overlayer_lowered:
.L_overlay_start_2:
0x76: {  	(tag) =	ssettag $0x2  }
0x77: {  	s0 =	rddreg [dreg:$0x0];
	s2 =	stileid.u32  }
0x78: {  	s1 =	rddreg [dreg:$0x1];
	p0 =	sne.s32 s2, $0x0  }
0x79: {  	s3 =	rddreg [dreg:$0x2];
	[bflag:$0x3] =	sbarrier.arrive $0xFFFF;
	s2 =	simm.s32 @!p0 $0x1C01  }
0x7a: {  	[timem:s3], [sflag:s2] =	dma.local @!p0 [hbm:s0], s1  }
0x7b: {  	s0 =	simm.s32 @!p0 $0x1  }
0x7c: {  	_ =	swait.ge @!p0 [sflag:s0], s1  }
0x7d: {  	s1 =	ssub.s32 @!p0 $0x0, s1;
	[sflag:s0] =	ssyncset.done @!p0 $0x0  }
0x7e: {  	[sflag:s0] =	ssyncadd.s32 @!p0 s1  }
0x7f: {  	[bflag:$0x3] =	sbarrier.arrive $0xFFFF  }
0x80: {  	_ =	shalt  }

</sc_bundles>
